<compile_context>
chip_gen: v7x
topology: tpu7x:2x2x1
jax: 0.10.2.dev20260603
libtpu: 0.0.44.dev20260713+nightly
codegen_flags: <defaults>
</compile_context>

<pallas_src>
import functools

import jax
import jax.numpy as jnp
from jax import lax
from jax.experimental import pallas as pl
from jax.experimental.pallas import tpu as pltpu
from jax.experimental.pallas import tpu_sc as plsc

G = 256

_NC = 2
_NS = 16
_CHUNK = 128


def _sc_edge_body(ncons, x_hbm, src_hbm, dst_hbm, emb_hbm, zeros_hbm, out_hbm,
                  msg_s, x_s,
                  src_v0, src_v1, src_v2, src_v3,
                  dst_v0, dst_v1, dst_v2, dst_v3,
                  t_v, rows_v0, rows_v1, srcr_v, dstr_v, tr_v, rowsr_v,
                  sem_l0, sem_l1, sem_l2, sem_l3, sem_a0, sem_a1):
    n_chunks, rem, per_worker, rows_per_tile = ncons
    c = lax.axis_index("c")
    s = lax.axis_index("s")

    src_v = (src_v0, src_v1, src_v2, src_v3)
    dst_v = (dst_v0, dst_v1, dst_v2, dst_v3)
    rows_v = (rows_v0, rows_v1)
    sem_l = (sem_l0, sem_l1, sem_l2, sem_l3)
    sem_a = (sem_a0, sem_a1)

    @pl.when(s == 0)
    def _stage():
        pltpu.sync_copy(x_hbm, x_s)

    pltpu.sync_copy(zeros_hbm, msg_s.at[pl.ds(s * rows_per_tile, rows_per_tile)])
    plsc.subcore_barrier()

    base0 = (c * _NS + s) * per_worker
    n_main = n_chunks - (n_chunks % 4)
    n_quads = n_main // 4

    def load(j, sl):
        base = base0 + j * _CHUNK
        pltpu.async_copy(src_hbm.at[pl.ds(base, _CHUNK)], src_v[sl], sem_l[sl])
        pltpu.async_copy(dst_hbm.at[pl.ds(base, _CHUNK)], dst_v[sl], sem_l[sl])

    def wait_load(sl):
        pltpu.make_async_copy(src_hbm.at[pl.ds(0, _CHUNK)], src_v[sl], sem_l[sl]).wait()
        pltpu.make_async_copy(dst_hbm.at[pl.ds(0, _CHUNK)], dst_v[sl], sem_l[sl]).wait()

    def wait_scat(b, sl):
        pltpu.make_async_copy(rows_v[b], msg_s.at[dst_v[sl]], sem_a[b]).wait()

    if n_quads:
        load(0, 0)
        load(1, 1)

        def quad(q, carry):
            for k in range(4):
                j = 4 * q + k
                b = k % 2
                wait_load(k)
                if k < 2:
                    @pl.when(q >= 1)
                    def _():
                        wait_scat(b, (k + 2) % 4)
                else:
                    wait_scat(b, (k + 2) % 4)
                pltpu.sync_copy(x_s.at[src_v[k]], t_v)
                pltpu.sync_copy(emb_hbm.at[t_v], rows_v[b])
                pltpu.async_copy(rows_v[b], msg_s.at[dst_v[k]], sem_a[b],
                                 add=True)

                @pl.when(j + 2 < n_main)
                def _():
                    load(j + 2, (k + 2) % 4)
            return carry

        lax.fori_loop(0, n_quads, quad, 0)
        wait_scat(0, 2)
        wait_scat(1, 3)

    for j in range(n_main, n_chunks):
        base = base0 + j * _CHUNK
        pltpu.sync_copy(src_hbm.at[pl.ds(base, _CHUNK)], src_v0)
        pltpu.sync_copy(dst_hbm.at[pl.ds(base, _CHUNK)], dst_v0)
        pltpu.sync_copy(x_s.at[src_v0], t_v)
        pltpu.sync_copy(emb_hbm.at[t_v], rows_v0)
        pltpu.sync_copy(rows_v0, msg_s.at[dst_v0], add=True)

    if rem:
        base = base0 + n_chunks * _CHUNK
        pltpu.sync_copy(src_hbm.at[pl.ds(base, rem)], srcr_v)
        pltpu.sync_copy(dst_hbm.at[pl.ds(base, rem)], dstr_v)
        pltpu.sync_copy(x_s.at[srcr_v], tr_v)
        pltpu.sync_copy(emb_hbm.at[tr_v], rowsr_v)
        pltpu.sync_copy(rowsr_v, msg_s.at[dstr_v], add=True)

    plsc.subcore_barrier()
    pltpu.sync_copy(msg_s.at[pl.ds(s * rows_per_tile, rows_per_tile)],
                    out_hbm.at[c, pl.ds(s * rows_per_tile, rows_per_tile)])


def _sc_edge(x_flat, src, dst, embedding):
    N = x_flat.shape[0]
    E = src.shape[0]
    NT, H = embedding.shape
    per_worker = E // (_NC * _NS)
    assert per_worker * _NC * _NS == E
    n_chunks, rem = divmod(per_worker, _CHUNK)
    rows_per_tile = -(-N // (_NS * 8)) * 8
    n_pad = rows_per_tile * _NS
    rem_alloc = max(rem, 8)

    zeros = jnp.zeros((rows_per_tile, H), jnp.float32)
    mesh = plsc.VectorSubcoreMesh(core_axis_name="c", subcore_axis_name="s")
    fn = pl.kernel(
        functools.partial(_sc_edge_body,
                          (n_chunks, rem, per_worker, rows_per_tile)),
        out_type=jax.ShapeDtypeStruct((_NC, n_pad, H), jnp.float32),
        mesh=mesh,
        scratch_types=[
            pltpu.VMEM_SHARED((n_pad, H), jnp.float32),
            pltpu.VMEM_SHARED((N,), jnp.int32),
            pltpu.VMEM((_CHUNK,), jnp.int32),
            pltpu.VMEM((_CHUNK,), jnp.int32),
            pltpu.VMEM((_CHUNK,), jnp.int32),
            pltpu.VMEM((_CHUNK,), jnp.int32),
            pltpu.VMEM((_CHUNK,), jnp.int32),
            pltpu.VMEM((_CHUNK,), jnp.int32),
            pltpu.VMEM((_CHUNK,), jnp.int32),
            pltpu.VMEM((_CHUNK,), jnp.int32),
            pltpu.VMEM((_CHUNK,), jnp.int32),
            pltpu.VMEM((_CHUNK, H), jnp.float32),
            pltpu.VMEM((_CHUNK, H), jnp.float32),
            pltpu.VMEM((rem_alloc,), jnp.int32),
            pltpu.VMEM((rem_alloc,), jnp.int32),
            pltpu.VMEM((rem_alloc,), jnp.int32),
            pltpu.VMEM((rem_alloc, H), jnp.float32),
            pltpu.SemaphoreType.DMA,
            pltpu.SemaphoreType.DMA,
            pltpu.SemaphoreType.DMA,
            pltpu.SemaphoreType.DMA,
            pltpu.SemaphoreType.DMA,
            pltpu.SemaphoreType.DMA,
        ],
    )
    return fn(x_flat, src, dst, embedding, zeros)


def _dot_t(a, b):
    return lax.dot_general(a, b, (((1,), (1,)), ((), ())),
                           preferred_element_type=jnp.float32,
                           precision=lax.Precision.DEFAULT)


def _dot_n(a, b):
    return lax.dot_general(a, b, (((0,), (0,)), ((), ())),
                           preferred_element_type=jnp.float32,
                           precision=lax.Precision.DEFAULT)


def _dot(a, b):
    return lax.dot_general(a, b, (((1,), (0,)), ((), ())),
                           preferred_element_type=jnp.float32,
                           precision=lax.Precision.DEFAULT)


def _tc_body(msg_ref, xi_ref, bi_ref, emb_ref, wih_ref, whh_ref, w1_ref,
             w2_ref, b2_ref, wq_ref, bq_ref, wt_ref, out_ref,
             h_s, wl_s, wg_s, li_s):
    N, H = h_s.shape
    NT = emb_ref.shape[0]
    BLK = 1000
    NB = N // BLK

    li_s[...] = jnp.full((1, G), -1, jnp.int32)
    wl_s[...] = jnp.zeros((G, H), jnp.float32)
    wg_s[...] = jnp.zeros((G, H), jnp.float32)

    def phase_a(i, carry):
        ds = pl.ds(i * BLK, BLK)
        xb = xi_ref[ds, :]
        oh_t = (xb == lax.broadcasted_iota(jnp.int32, (BLK, NT), 1)
                ).astype(jnp.float32)
        emb_b = _dot(oh_t, emb_ref[...])
        msg_b = msg_ref[0, ds, :] + msg_ref[1, ds, :]
        gi = _dot_t(msg_b, wih_ref[...])
        gh = _dot_t(emb_b, whh_ref[...])
        r = jax.nn.sigmoid(gi[:, :H] + gh[:, :H])
        z = jax.nn.sigmoid(gi[:, H:2 * H] + gh[:, H:2 * H])
        n = jnp.tanh(gi[:, 2 * H:] + r * gh[:, 2 * H:])
        h_b = (1.0 - z) * n + z * emb_b
        h_s[ds, :] = h_b
        bb = bi_ref[ds, :]
        oh_g = bb == lax.broadcasted_iota(jnp.int32, (BLK, G), 1)
        nidx = lax.broadcasted_iota(jnp.int32, (BLK, 1), 0) + i * BLK
        li_s[...] = jnp.maximum(
            li_s[...], jnp.max(jnp.where(oh_g, nidx, -1), axis=0, keepdims=True))
        return carry

    lax.fori_loop(0, NB, phase_a, 0)
    li = jnp.maximum(li_s[...], 0)

    def phase_b(i, carry):
        ds = pl.ds(i * BLK, BLK)
        nidx = lax.broadcasted_iota(jnp.int32, (BLK, 1), 0) + i * BLK
        oh_l = (nidx == li).astype(jnp.float32)
        wl_s[...] += _dot_n(oh_l, h_s[ds, :])
        return carry

    lax.fori_loop(0, NB, phase_b, 0)

    def phase_c(i, carry):
        ds = pl.ds(i * BLK, BLK)
        bb = bi_ref[ds, :]
        oh_g = (bb == lax.broadcasted_iota(jnp.int32, (BLK, G), 1)
                ).astype(jnp.float32)
        h_b = h_s[ds, :]
        wgr = _dot(oh_g, wl_s[...])
        q1 = _dot_t(wgr, w1_ref[...])
        q2 = _dot_t(h_b, w2_ref[...]) + b2_ref[...]
        alpha = _dot_t(jax.nn.sigmoid(q1 + q2), wq_ref[...]) + bq_ref[...]
        a_b = alpha * h_b
        wg_s[...] += _dot_n(oh_g, a_b)
        return carry

    lax.fori_loop(0, NB, phase_c, 0)

    wcat = jnp.concatenate([wl_s[...], wg_s[...]], axis=1)
    w = _dot_t(wcat, wt_ref[...])
    out_ref[...] = _dot_t(w, emb_ref[...])


def _tc_forward(msg01, xi, batchi, embedding, gru_w_ih, gru_w_hh,
                W1, W2, b2r, Wq, bqr, Wt):
    N = xi.shape[0]
    NT, H = embedding.shape
    return pl.pallas_call(
        _tc_body,
        out_shape=jax.ShapeDtypeStruct((G, NT), jnp.float32),
        scratch_shapes=[
            pltpu.VMEM((N, H), jnp.float32),
            pltpu.VMEM((G, H), jnp.float32),
            pltpu.VMEM((G, H), jnp.float32),
            pltpu.VMEM((1, G), jnp.int32),
        ],
    )(msg01, xi, batchi, embedding, gru_w_ih, gru_w_hh, W1, W2, b2r, Wq, bqr, Wt)


def kernel(x, edge_index, batch, embedding, gru_w_ih, gru_w_hh,
           W1, W2, b2, Wq, bq, Wt):
    N = x.shape[0]
    H = embedding.shape[1]
    x_flat = x[:, 0].astype(jnp.int32)
    src = edge_index[0].astype(jnp.int32)
    dst = edge_index[1].astype(jnp.int32)
    msg01 = _sc_edge(x_flat, src, dst, embedding)
    xi = x.astype(jnp.int32).reshape(N, 1)
    batchi = batch.astype(jnp.int32).reshape(N, 1)
    return _tc_forward(msg01, xi, batchi, embedding, gru_w_ih, gru_w_hh,
                       W1, W2, b2.reshape(1, H), Wq, bq.reshape(1, H), Wt)

# --- scband reference (transcript-rebuilt; emitter-appended) ---
"""Pipeline reference for scband-gated-gnn-25074019074619 (READ-ONLY COPY).

The authoritative reference and input builder live on the scoring server;
editing this copy changes nothing except your own understanding.
"""

import jax, jax.numpy as jnp
import numpy as np

N = 10000
E = 320000
H = 128
NUM_TOOLS = 512
G = 256


def setup_inputs(seed: int = 0) -> dict:
    key = jax.random.key(seed)
    ks = jax.random.split(key, 12)
    x = jax.random.randint(ks[0], (N, 1), 0, NUM_TOOLS)
    edge_index = jax.random.randint(ks[1], (2, E), 0, N)
    batch = jnp.sort(jax.random.randint(ks[2], (N,), 0, G))
    s = 1.0 / np.sqrt(H)
    embedding = jax.random.uniform(ks[3], (NUM_TOOLS, H), minval=-s, maxval=s, dtype=jnp.float32)
    gru_w_ih = jax.random.uniform(ks[4], (3 * H, H), minval=-s, maxval=s, dtype=jnp.float32)
    gru_w_hh = jax.random.uniform(ks[5], (3 * H, H), minval=-s, maxval=s, dtype=jnp.float32)
    W1 = jax.random.uniform(ks[6], (H, H), minval=-s, maxval=s, dtype=jnp.float32)
    W2 = jax.random.uniform(ks[7], (H, H), minval=-s, maxval=s, dtype=jnp.float32)
    b2 = jax.random.uniform(ks[8], (H,), minval=-s, maxval=s, dtype=jnp.float32)
    Wq = jax.random.uniform(ks[9], (H, H), minval=-s, maxval=s, dtype=jnp.float32)
    bq = jax.random.uniform(ks[10], (H,), minval=-s, maxval=s, dtype=jnp.float32)
    Wt = jax.random.uniform(ks[11], (H, 2 * H), minval=-s, maxval=s, dtype=jnp.float32)
    return {"x": x, "edge_index": edge_index, "batch": batch, "embedding": embedding,
            "gru_w_ih": gru_w_ih, "gru_w_hh": gru_w_hh, "W1": W1, "W2": W2, "b2": b2,
            "Wq": Wq, "bq": bq, "Wt": Wt}


def reference(x, edge_index, batch, embedding, gru_w_ih, gru_w_hh, W1, W2, b2, Wq, bq, Wt):
    # embedding lookup (dropout2d is identity in eval mode)
    emb = jnp.take(embedding, x[:, 0], axis=0)
    # GatedGraphConv: aggregate x_j (source features) to target nodes with sum
    src = edge_index[0]
    dst = edge_index[1]
    msg = jax.ops.segment_sum(jnp.take(emb, src, axis=0), dst, num_segments=N)
    # GRUCell (bias=False): input=msg, hidden=emb
    gi = msg @ gru_w_ih.T
    gh = emb @ gru_w_hh.T
    i_r, i_z, i_n = jnp.split(gi, 3, axis=1)
    h_r, h_z, h_n = jnp.split(gh, 3, axis=1)
    r = jax.nn.sigmoid(i_r + h_r)
    z = jax.nn.sigmoid(i_z + h_z)
    n = jnp.tanh(i_n + r * h_n)
    h = (1.0 - z) * n + z * emb
    # dropout_one is identity in eval mode
    # workflow reps: last node of each graph (batch is sorted)
    idx = jnp.arange(h.shape[0])
    last_idx = jax.ops.segment_max(idx, batch, num_segments=G)
    w_l = jnp.take(h, last_idx, axis=0)
    w_g_r = jnp.take(w_l, batch, axis=0)
    q1 = w_g_r @ W1.T
    q2 = h @ W2.T + b2
    alpha = jax.nn.sigmoid(q1 + q2) @ Wq.T + bq
    a = alpha * h
    w_g = jax.ops.segment_sum(a, batch, num_segments=G)
    w = jnp.concatenate([w_l, w_g], axis=1) @ Wt.T
    logits = w @ embedding.T
    return logits

if __name__ == "__main__":
    import jax
    _d = setup_inputs()
    print(jax.jit(kernel)(*tuple(_d.values())))

</pallas_src>

<mosaic_0001>
#map = affine_map<(d0, d1) -> (0)>
#map1 = affine_map<(d0, d1) -> (0, 0)>
#map2 = affine_map<(d0, d1) -> (0, 0, 0)>
module attributes {stable_mosaic.version = 14 : i64} {
  func.func @_sc_edge_body(%arg0: i32, %arg1: i32, %arg2: memref<10000xi32, #tpu.memory_space<hbm>>, %arg3: memref<320000xi32, #tpu.memory_space<hbm>>, %arg4: memref<320000xi32, #tpu.memory_space<hbm>>, %arg5: memref<512x128xf32, #tpu.memory_space<hbm>>, %arg6: memref<632x128xf32, #tpu.memory_space<hbm>>, %arg7: memref<2x10112x128xf32, #tpu.memory_space<hbm>>, %arg8: memref<10112x128xf32, #tpu.memory_space<vmem_shared>>, %arg9: memref<10000xi32, #tpu.memory_space<vmem_shared>>, %arg10: memref<128xi32, #tpu.memory_space<vmem>>, %arg11: memref<128xi32, #tpu.memory_space<vmem>>, %arg12: memref<128xi32, #tpu.memory_space<vmem>>, %arg13: memref<128xi32, #tpu.memory_space<vmem>>, %arg14: memref<128xi32, #tpu.memory_space<vmem>>, %arg15: memref<128xi32, #tpu.memory_space<vmem>>, %arg16: memref<128xi32, #tpu.memory_space<vmem>>, %arg17: memref<128xi32, #tpu.memory_space<vmem>>, %arg18: memref<128xi32, #tpu.memory_space<vmem>>, %arg19: memref<128x128xf32, #tpu.memory_space<vmem>>, %arg20: memref<128x128xf32, #tpu.memory_space<vmem>>, %arg21: memref<16xi32, #tpu.memory_space<vmem>>, %arg22: memref<16xi32, #tpu.memory_space<vmem>>, %arg23: memref<16xi32, #tpu.memory_space<vmem>>, %arg24: memref<16x128xf32, #tpu.memory_space<vmem>>, %arg25: memref<!tpu.dma_semaphore, #tpu.memory_space<semaphore_mem>>, %arg26: memref<!tpu.dma_semaphore, #tpu.memory_space<semaphore_mem>>, %arg27: memref<!tpu.dma_semaphore, #tpu.memory_space<semaphore_mem>>, %arg28: memref<!tpu.dma_semaphore, #tpu.memory_space<semaphore_mem>>, %arg29: memref<!tpu.dma_semaphore, #tpu.memory_space<semaphore_mem>>, %arg30: memref<!tpu.dma_semaphore, #tpu.memory_space<semaphore_mem>>) attributes {dimension_semantics = [#tpu.dimension_semantics<core_parallel>, #tpu.dimension_semantics<subcore_parallel>], iteration_bounds = array<i64: 2, 16>, scalar_prefetch = 0 : i64, scratch_operands = 23 : i64, tpu.core_type = #tpu.core_type<sc_vector_subcore>, window_params = [{transform_indices = #map}, {transform_indices = #map}, {transform_indices = #map}, {transform_indices = #map1}, {transform_indices = #map1}, {transform_indices = #map2}]} {
    %eq3A = arith.constant 0 : i32
    %eq3A_0 = arith.cmpi eq, %arg1, %eq3A : i32
    %convert_element_type3A = arith.extui %eq3A_0 : i1 to i32
    %cond3A = arith.constant 0 : i32
    %cond3A_1 = arith.cmpi ne, %convert_element_type3A, %cond3A : i32
    scf.if %cond3A_1 {
      "tpu.region"() ({
        %run_scoped3A = tpu.sem_alloc : memref<!tpu.dma_semaphore, #tpu.memory_space<semaphore_mem>>
        tpu.enqueue_dma source(%arg2 : memref<10000xi32, #tpu.memory_space<hbm>>) target(%arg9 : memref<10000xi32, #tpu.memory_space<vmem_shared>>) target_semaphore(%run_scoped3A : memref<!tpu.dma_semaphore, #tpu.memory_space<semaphore_mem>>)
        tpu.wait_dma2 semaphore(%run_scoped3A : memref<!tpu.dma_semaphore, #tpu.memory_space<semaphore_mem>>) src(%arg2 : memref<10000xi32, #tpu.memory_space<hbm>>) dst(%arg9 : memref<10000xi32, #tpu.memory_space<vmem_shared>>)
        tpu.yield
      }) : () -> ()
    } else {
    }
    %mul3A = arith.constant 632 : i32
    %mul3A_2 = arith.muli %arg1, %mul3A : i32
    "tpu.region"() ({
      %run_scoped3A = tpu.sem_alloc : memref<!tpu.dma_semaphore, #tpu.memory_space<semaphore_mem>>
      %dma_start3A_39 = arith.constant 0 : i32
      %dma_start3A_40 = tpu.memref_slice %arg8[%mul3A_2, %dma_start3A_39] : memref<10112x128xf32, #tpu.memory_space<vmem_shared>> -> memref<632x128xf32, #tpu.memory_space<vmem_shared>>
      tpu.enqueue_dma source(%arg6 : memref<632x128xf32, #tpu.memory_space<hbm>>) target(%dma_start3A_40 : memref<632x128xf32, #tpu.memory_space<vmem_shared>>) target_semaphore(%run_scoped3A : memref<!tpu.dma_semaphore, #tpu.memory_space<semaphore_mem>>)
      %dma_wait3A_41 = arith.constant 0 : i32
      %dma_wait3A_42 = tpu.memref_slice %arg8[%mul3A_2, %dma_wait3A_41] : memref<10112x128xf32, #tpu.memory_space<vmem_shared>> -> memref<632x128xf32, #tpu.memory_space<vmem_shared>>
      tpu.wait_dma2 semaphore(%run_scoped3A : memref<!tpu.dma_semaphore, #tpu.memory_space<semaphore_mem>>) src(%arg6 : memref<632x128xf32, #tpu.memory_space<hbm>>) dst(%dma_wait3A_42 : memref<632x128xf32, #tpu.memory_space<vmem_shared>>)
      tpu.yield
    }) : () -> ()
    %barrier3A = arith.constant 0 : index
    tpu.barrier barrier_id(%barrier3A)
    %mul3A_3 = arith.constant 16 : i32
    %mul3A_4 = arith.muli %arg0, %mul3A_3 : i32
    %add3A = arith.addi %mul3A_4, %arg1 : i32
    %mul3A_5 = arith.constant 10000 : i32
    %mul3A_6 = arith.muli %add3A, %mul3A_5 : i32
    %add3A_7 = arith.constant 0 : i32
    %add3A_8 = arith.addi %mul3A_6, %add3A_7 : i32
    %dma_start3A = tpu.memref_slice %arg3[%add3A_8] : memref<320000xi32, #tpu.memory_space<hbm>> -> memref<128xi32, #tpu.memory_space<hbm>>
    %dma_start3A_9 = tpu.memref_slice %arg3[%add3A_8] : memref<320000xi32, #tpu.memory_space<hbm>> -> memref<128xi32, #tpu.memory_space<hbm>>
    tpu.enqueue_dma source(%dma_start3A_9 : memref<128xi32, #tpu.memory_space<hbm>>) target(%arg10 : memref<128xi32, #tpu.memory_space<vmem>>) target_semaphore(%arg25 : memref<!tpu.dma_semaphore, #tpu.memory_space<semaphore_mem>>)
    %dma_start3A_10 = tpu.memref_slice %arg4[%add3A_8] : memref<320000xi32, #tpu.memory_space<hbm>> -> memref<128xi32, #tpu.memory_space<hbm>>
    %dma_start3A_11 = tpu.memref_slice %arg4[%add3A_8] : memref<320000xi32, #tpu.memory_space<hbm>> -> memref<128xi32, #tpu.memory_space<hbm>>
    tpu.enqueue_dma source(%dma_start3A_11 : memref<128xi32, #tpu.memory_space<hbm>>) target(%arg14 : memref<128xi32, #tpu.memory_space<vmem>>) target_semaphore(%arg25 : memref<!tpu.dma_semaphore, #tpu.memory_space<semaphore_mem>>)
    %add3A_12 = arith.constant 128 : i32
    %add3A_13 = arith.addi %mul3A_6, %add3A_12 : i32
    %dma_start3A_14 = tpu.memref_slice %arg3[%add3A_13] : memref<320000xi32, #tpu.memory_space<hbm>> -> memref<128xi32, #tpu.memory_space<hbm>>
    %dma_start3A_15 = tpu.memref_slice %arg3[%add3A_13] : memref<320000xi32, #tpu.memory_space<hbm>> -> memref<128xi32, #tpu.memory_space<hbm>>
    tpu.enqueue_dma source(%dma_start3A_15 : memref<128xi32, #tpu.memory_space<hbm>>) target(%arg11 : memref<128xi32, #tpu.memory_space<vmem>>) target_semaphore(%arg26 : memref<!tpu.dma_semaphore, #tpu.memory_space<semaphore_mem>>)
    %dma_start3A_16 = tpu.memref_slice %arg4[%add3A_13] : memref<320000xi32, #tpu.memory_space<hbm>> -> memref<128xi32, #tpu.memory_space<hbm>>
    %dma_start3A_17 = tpu.memref_slice %arg4[%add3A_13] : memref<320000xi32, #tpu.memory_space<hbm>> -> memref<128xi32, #tpu.memory_space<hbm>>
    tpu.enqueue_dma source(%dma_start3A_17 : memref<128xi32, #tpu.memory_space<hbm>>) target(%arg15 : memref<128xi32, #tpu.memory_space<vmem>>) target_semaphore(%arg26 : memref<!tpu.dma_semaphore, #tpu.memory_space<semaphore_mem>>)
    %scan3A = arith.constant 0 : i32
    %scan3A_18 = arith.constant 0 : i32
    %scan3A_19 = arith.constant 19 : i32
    %scan3A_20 = arith.addi %scan3A_18, %scan3A_19 : i32
    %scan3A_21 = arith.constant 1 : i32
    scf.for %scan3A_39 = %scan3A_18 to %scan3A_20 step %scan3A_21  : i32 {
      %mul3A_40 = arith.constant 4 : i32
      %mul3A_41 = arith.muli %mul3A_40, %scan3A_39 : i32
      %add3A_42 = arith.constant 0 : i32
      %add3A_43 = arith.addi %mul3A_41, %add3A_42 : i32
      %dma_wait3A_44 = arith.constant 0 : i32
      %dma_wait3A_45 = tpu.memref_slice %arg3[%dma_wait3A_44] : memref<320000xi32, #tpu.memory_space<hbm>> -> memref<128xi32, #tpu.memory_space<hbm>>
      %dma_wait3A_46 = arith.constant 0 : i32
      %dma_wait3A_47 = tpu.memref_slice %arg3[%dma_wait3A_46] : memref<320000xi32, #tpu.memory_space<hbm>> -> memref<128xi32, #tpu.memory_space<hbm>>
      tpu.wait_dma2 semaphore(%arg25 : memref<!tpu.dma_semaphore, #tpu.memory_space<semaphore_mem>>) src(%dma_wait3A_47 : memref<128xi32, #tpu.memory_space<hbm>>) dst(%arg10 : memref<128xi32, #tpu.memory_space<vmem>>)
      %dma_wait3A_48 = arith.constant 0 : i32
      %dma_wait3A_49 = tpu.memref_slice %arg4[%dma_wait3A_48] : memref<320000xi32, #tpu.memory_space<hbm>> -> memref<128xi32, #tpu.memory_space<hbm>>
      %dma_wait3A_50 = arith.constant 0 : i32
      %dma_wait3A_51 = tpu.memref_slice %arg4[%dma_wait3A_50] : memref<320000xi32, #tpu.memory_space<hbm>> -> memref<128xi32, #tpu.memory_space<hbm>>
      tpu.wait_dma2 semaphore(%arg25 : memref<!tpu.dma_semaphore, #tpu.memory_space<semaphore_mem>>) src(%dma_wait3A_51 : memref<128xi32, #tpu.memory_space<hbm>>) dst(%arg14 : memref<128xi32, #tpu.memory_space<vmem>>)
      %ge3A = arith.constant 1 : i32
      %ge3A_52 = arith.cmpi sge, %scan3A_39, %ge3A : i32
      %convert_element_type3A_53 = arith.extui %ge3A_52 : i1 to i32
      %cond3A_54 = arith.constant 0 : i32
      %cond3A_55 = arith.cmpi ne, %convert_element_type3A_53, %cond3A_54 : i32
      scf.if %cond3A_55 {
        %dma_wait3A_142 = arith.constant 0 : i32
        %dma_wait3A_143 = arith.constant 0 : i32
        %dma_wait3A_144 = tpu.memref_slice %arg8[%dma_wait3A_142, %dma_wait3A_143] : memref<10112x128xf32, #tpu.memory_space<vmem_shared>> -> memref<10112x128xf32, #tpu.memory_space<vmem_shared>>
        tpu.wait_indirect_dma semaphore(%arg29 : memref<!tpu.dma_semaphore, #tpu.memory_space<semaphore_mem>>) src(%arg19 : memref<128x128xf32, #tpu.memory_space<vmem>>) dst(%dma_wait3A_144 : memref<10112x128xf32, #tpu.memory_space<vmem_shared>>)
      } else {
      }
      "tpu.region"() ({
        %run_scoped3A = tpu.sem_alloc : memref<!tpu.dma_semaphore, #tpu.memory_space<semaphore_mem>>
        %dma_start3A_142 = arith.constant 0 : i32
        %dma_start3A_143 = tpu.memref_slice %arg9[%dma_start3A_142] : memref<10000xi32, #tpu.memory_space<vmem_shared>> -> memref<10000xi32, #tpu.memory_space<vmem_shared>>
        tpu.enqueue_indirect_dma source(%dma_start3A_143 : memref<10000xi32, #tpu.memory_space<vmem_shared>>) target(%arg18 : memref<128xi32, #tpu.memory_space<vmem>>) offsets(%arg10 : memref<128xi32, #tpu.memory_space<vmem>>) semaphore(%run_scoped3A : memref<!tpu.dma_semaphore, #tpu.memory_space<semaphore_mem>>)
        %dma_wait3A_144 = arith.constant 0 : i32
        %dma_wait3A_145 = tpu.memref_slice %arg9[%dma_wait3A_144] : memref<10000xi32, #tpu.memory_space<vmem_shared>> -> memref<10000xi32, #tpu.memory_space<vmem_shared>>
        tpu.wait_indirect_dma semaphore(%run_scoped3A : memref<!tpu.dma_semaphore, #tpu.memory_space<semaphore_mem>>) src(%dma_wait3A_145 : memref<10000xi32, #tpu.memory_space<vmem_shared>>) dst(%arg18 : memref<128xi32, #tpu.memory_space<vmem>>)
        tpu.yield
      }) : () -> ()
      "tpu.region"() ({
        %run_scoped3A = tpu.sem_alloc : memref<!tpu.dma_semaphore, #tpu.memory_space<semaphore_mem>>
        %dma_start3A_142 = arith.constant 0 : i32
        %dma_start3A_143 = arith.constant 0 : i32
        %dma_start3A_144 = tpu.memref_slice %arg5[%dma_start3A_142, %dma_start3A_143] : memref<512x128xf32, #tpu.memory_space<hbm>> -> memref<512x128xf32, #tpu.memory_space<hbm>>
        tpu.enqueue_indirect_dma source(%dma_start3A_144 : memref<512x128xf32, #tpu.memory_space<hbm>>) target(%arg19 : memref<128x128xf32, #tpu.memory_space<vmem>>) offsets(%arg18 : memref<128xi32, #tpu.memory_space<vmem>>) semaphore(%run_scoped3A : memref<!tpu.dma_semaphore, #tpu.memory_space<semaphore_mem>>)
        %dma_wait3A_145 = arith.constant 0 : i32
        %dma_wait3A_146 = arith.constant 0 : i32
        %dma_wait3A_147 = tpu.memref_slice %arg5[%dma_wait3A_145, %dma_wait3A_146] : memref<512x128xf32, #tpu.memory_space<hbm>> -> memref<512x128xf32, #tpu.memory_space<hbm>>
        tpu.wait_indirect_dma semaphore(%run_scoped3A : memref<!tpu.dma_semaphore, #tpu.memory_space<semaphore_mem>>) src(%dma_wait3A_147 : memref<512x128xf32, #tpu.memory_space<hbm>>) dst(%arg19 : memref<128x128xf32, #tpu.memory_space<vmem>>)
        tpu.yield
      }) : () -> ()
      %dma_start3A_56 = arith.constant 0 : i32
      %dma_start3A_57 = arith.constant 0 : i32
      %dma_start3A_58 = tpu.memref_slice %arg8[%dma_start3A_56, %dma_start3A_57] : memref<10112x128xf32, #tpu.memory_space<vmem_shared>> -> memref<10112x128xf32, #tpu.memory_space<vmem_shared>>
      tpu.enqueue_indirect_dma source(%arg19 : memref<128x128xf32, #tpu.memory_space<vmem>>) target(%dma_start3A_58 : memref<10112x128xf32, #tpu.memory_space<vmem_shared>>) offsets(%arg14 : memref<128xi32, #tpu.memory_space<vmem>>) semaphore(%arg29 : memref<!tpu.dma_semaphore, #tpu.memory_space<semaphore_mem>>) {add = true}
      %add3A_59 = arith.constant 2 : i32
      %add3A_60 = arith.addi %add3A_43, %add3A_59 : i32
      %lt3A = arith.constant 76 : i32
      %lt3A_61 = arith.cmpi slt, %add3A_60, %lt3A : i32
      %convert_element_type3A_62 = arith.extui %lt3A_61 : i1 to i32
      %cond3A_63 = arith.constant 0 : i32
      %cond3A_64 = arith.cmpi ne, %convert_element_type3A_62, %cond3A_63 : i32
      scf.if %cond3A_64 {
        %add3A_142 = arith.constant 2 : i32
        %add3A_143 = arith.addi %add3A_43, %add3A_142 : i32
        %mul3A_144 = arith.constant 128 : i32
        %mul3A_145 = arith.muli %add3A_143, %mul3A_144 : i32
        %add3A_146 = arith.addi %mul3A_6, %mul3A_145 : i32
        %dma_start3A_147 = tpu.memref_slice %arg3[%add3A_146] : memref<320000xi32, #tpu.memory_space<hbm>> -> memref<128xi32, #tpu.memory_space<hbm>>
        %dma_start3A_148 = tpu.memref_slice %arg3[%add3A_146] : memref<320000xi32, #tpu.memory_space<hbm>> -> memref<128xi32, #tpu.memory_space<hbm>>
        tpu.enqueue_dma source(%dma_start3A_148 : memref<128xi32, #tpu.memory_space<hbm>>) target(%arg12 : memref<128xi32, #tpu.memory_space<vmem>>) target_semaphore(%arg27 : memref<!tpu.dma_semaphore, #tpu.memory_space<semaphore_mem>>)
        %dma_start3A_149 = tpu.memref_slice %arg4[%add3A_146] : memref<320000xi32, #tpu.memory_space<hbm>> -> memref<128xi32, #tpu.memory_space<hbm>>
        %dma_start3A_150 = tpu.memref_slice %arg4[%add3A_146] : memref<320000xi32, #tpu.memory_space<hbm>> -> memref<128xi32, #tpu.memory_space<hbm>>
        tpu.enqueue_dma source(%dma_start3A_150 : memref<128xi32, #tpu.memory_space<hbm>>) target(%arg16 : memref<128xi32, #tpu.memory_space<vmem>>) target_semaphore(%arg27 : memref<!tpu.dma_semaphore, #tpu.memory_space<semaphore_mem>>)
      } else {
      }
      %mul3A_65 = arith.constant 4 : i32
      %mul3A_66 = arith.muli %mul3A_65, %scan3A_39 : i32
      %add3A_67 = arith.constant 1 : i32
      %add3A_68 = arith.addi %mul3A_66, %add3A_67 : i32
      %dma_wait3A_69 = arith.constant 0 : i32
      %dma_wait3A_70 = tpu.memref_slice %arg3[%dma_wait3A_69] : memref<320000xi32, #tpu.memory_space<hbm>> -> memref<128xi32, #tpu.memory_space<hbm>>
      %dma_wait3A_71 = arith.constant 0 : i32
      %dma_wait3A_72 = tpu.memref_slice %arg3[%dma_wait3A_71] : memref<320000xi32, #tpu.memory_space<hbm>> -> memref<128xi32, #tpu.memory_space<hbm>>
      tpu.wait_dma2 semaphore(%arg26 : memref<!tpu.dma_semaphore, #tpu.memory_space<semaphore_mem>>) src(%dma_wait3A_72 : memref<128xi32, #tpu.memory_space<hbm>>) dst(%arg11 : memref<128xi32, #tpu.memory_space<vmem>>)
      %dma_wait3A_73 = arith.constant 0 : i32
      %dma_wait3A_74 = tpu.memref_slice %arg4[%dma_wait3A_73] : memref<320000xi32, #tpu.memory_space<hbm>> -> memref<128xi32, #tpu.memory_space<hbm>>
      %dma_wait3A_75 = arith.constant 0 : i32
      %dma_wait3A_76 = tpu.memref_slice %arg4[%dma_wait3A_75] : memref<320000xi32, #tpu.memory_space<hbm>> -> memref<128xi32, #tpu.memory_space<hbm>>
      tpu.wait_dma2 semaphore(%arg26 : memref<!tpu.dma_semaphore, #tpu.memory_space<semaphore_mem>>) src(%dma_wait3A_76 : memref<128xi32, #tpu.memory_space<hbm>>) dst(%arg15 : memref<128xi32, #tpu.memory_space<vmem>>)
      %ge3A_77 = arith.constant 1 : i32
      %ge3A_78 = arith.cmpi sge, %scan3A_39, %ge3A_77 : i32
      %convert_element_type3A_79 = arith.extui %ge3A_78 : i1 to i32
      %cond3A_80 = arith.constant 0 : i32
      %cond3A_81 = arith.cmpi ne, %convert_element_type3A_79, %cond3A_80 : i32
      scf.if %cond3A_81 {
        %dma_wait3A_142 = arith.constant 0 : i32
        %dma_wait3A_143 = arith.constant 0 : i32
        %dma_wait3A_144 = tpu.memref_slice %arg8[%dma_wait3A_142, %dma_wait3A_143] : memref<10112x128xf32, #tpu.memory_space<vmem_shared>> -> memref<10112x128xf32, #tpu.memory_space<vmem_shared>>
        tpu.wait_indirect_dma semaphore(%arg30 : memref<!tpu.dma_semaphore, #tpu.memory_space<semaphore_mem>>) src(%arg20 : memref<128x128xf32, #tpu.memory_space<vmem>>) dst(%dma_wait3A_144 : memref<10112x128xf32, #tpu.memory_space<vmem_shared>>)
      } else {
      }
      "tpu.region"() ({
        %run_scoped3A = tpu.sem_alloc : memref<!tpu.dma_semaphore, #tpu.memory_space<semaphore_mem>>
        %dma_start3A_142 = arith.constant 0 : i32
        %dma_start3A_143 = tpu.memref_slice %arg9[%dma_start3A_142] : memref<10000xi32, #tpu.memory_space<vmem_shared>> -> memref<10000xi32, #tpu.memory_space<vmem_shared>>
        tpu.enqueue_indirect_dma source(%dma_start3A_143 : memref<10000xi32, #tpu.memory_space<vmem_shared>>) target(%arg18 : memref<128xi32, #tpu.memory_space<vmem>>) offsets(%arg11 : memref<128xi32, #tpu.memory_space<vmem>>) semaphore(%run_scoped3A : memref<!tpu.dma_semaphore, #tpu.memory_space<semaphore_mem>>)
        %dma_wait3A_144 = arith.constant 0 : i32
        %dma_wait3A_145 = tpu.memref_slice %arg9[%dma_wait3A_144] : memref<10000xi32, #tpu.memory_space<vmem_shared>> -> memref<10000xi32, #tpu.memory_space<vmem_shared>>
        tpu.wait_indirect_dma semaphore(%run_scoped3A : memref<!tpu.dma_semaphore, #tpu.memory_space<semaphore_mem>>) src(%dma_wait3A_145 : memref<10000xi32, #tpu.memory_space<vmem_shared>>) dst(%arg18 : memref<128xi32, #tpu.memory_space<vmem>>)
        tpu.yield
      }) : () -> ()
      "tpu.region"() ({
        %run_scoped3A = tpu.sem_alloc : memref<!tpu.dma_semaphore, #tpu.memory_space<semaphore_mem>>
        %dma_start3A_142 = arith.constant 0 : i32
        %dma_start3A_143 = arith.constant 0 : i32
        %dma_start3A_144 = tpu.memref_slice %arg5[%dma_start3A_142, %dma_start3A_143] : memref<512x128xf32, #tpu.memory_space<hbm>> -> memref<512x128xf32, #tpu.memory_space<hbm>>
        tpu.enqueue_indirect_dma source(%dma_start3A_144 : memref<512x128xf32, #tpu.memory_space<hbm>>) target(%arg20 : memref<128x128xf32, #tpu.memory_space<vmem>>) offsets(%arg18 : memref<128xi32, #tpu.memory_space<vmem>>) semaphore(%run_scoped3A : memref<!tpu.dma_semaphore, #tpu.memory_space<semaphore_mem>>)
        %dma_wait3A_145 = arith.constant 0 : i32
        %dma_wait3A_146 = arith.constant 0 : i32
        %dma_wait3A_147 = tpu.memref_slice %arg5[%dma_wait3A_145, %dma_wait3A_146] : memref<512x128xf32, #tpu.memory_space<hbm>> -> memref<512x128xf32, #tpu.memory_space<hbm>>
        tpu.wait_indirect_dma semaphore(%run_scoped3A : memref<!tpu.dma_semaphore, #tpu.memory_space<semaphore_mem>>) src(%dma_wait3A_147 : memref<512x128xf32, #tpu.memory_space<hbm>>) dst(%arg20 : memref<128x128xf32, #tpu.memory_space<vmem>>)
        tpu.yield
      }) : () -> ()
      %dma_start3A_82 = arith.constant 0 : i32
      %dma_start3A_83 = arith.constant 0 : i32
      %dma_start3A_84 = tpu.memref_slice %arg8[%dma_start3A_82, %dma_start3A_83] : memref<10112x128xf32, #tpu.memory_space<vmem_shared>> -> memref<10112x128xf32, #tpu.memory_space<vmem_shared>>
      tpu.enqueue_indirect_dma source(%arg20 : memref<128x128xf32, #tpu.memory_space<vmem>>) target(%dma_start3A_84 : memref<10112x128xf32, #tpu.memory_space<vmem_shared>>) offsets(%arg15 : memref<128xi32, #tpu.memory_space<vmem>>) semaphore(%arg30 : memref<!tpu.dma_semaphore, #tpu.memory_space<semaphore_mem>>) {add = true}
      %add3A_85 = arith.constant 2 : i32
      %add3A_86 = arith.addi %add3A_68, %add3A_85 : i32
      %lt3A_87 = arith.constant 76 : i32
      %lt3A_88 = arith.cmpi slt, %add3A_86, %lt3A_87 : i32
      %convert_element_type3A_89 = arith.extui %lt3A_88 : i1 to i32
      %cond3A_90 = arith.constant 0 : i32
      %cond3A_91 = arith.cmpi ne, %convert_element_type3A_89, %cond3A_90 : i32
      scf.if %cond3A_91 {
        %add3A_142 = arith.constant 2 : i32
        %add3A_143 = arith.addi %add3A_68, %add3A_142 : i32
        %mul3A_144 = arith.constant 128 : i32
        %mul3A_145 = arith.muli %add3A_143, %mul3A_144 : i32
        %add3A_146 = arith.addi %mul3A_6, %mul3A_145 : i32
        %dma_start3A_147 = tpu.memref_slice %arg3[%add3A_146] : memref<320000xi32, #tpu.memory_space<hbm>> -> memref<128xi32, #tpu.memory_space<hbm>>
        %dma_start3A_148 = tpu.memref_slice %arg3[%add3A_146] : memref<320000xi32, #tpu.memory_space<hbm>> -> memref<128xi32, #tpu.memory_space<hbm>>
        tpu.enqueue_dma source(%dma_start3A_148 : memref<128xi32, #tpu.memory_space<hbm>>) target(%arg13 : memref<128xi32, #tpu.memory_space<vmem>>) target_semaphore(%arg28 : memref<!tpu.dma_semaphore, #tpu.memory_space<semaphore_mem>>)
        %dma_start3A_149 = tpu.memref_slice %arg4[%add3A_146] : memref<320000xi32, #tpu.memory_space<hbm>> -> memref<128xi32, #tpu.memory_space<hbm>>
        %dma_start3A_150 = tpu.memref_slice %arg4[%add3A_146] : memref<320000xi32, #tpu.memory_space<hbm>> -> memref<128xi32, #tpu.memory_space<hbm>>
        tpu.enqueue_dma source(%dma_start3A_150 : memref<128xi32, #tpu.memory_space<hbm>>) target(%arg17 : memref<128xi32, #tpu.memory_space<vmem>>) target_semaphore(%arg28 : memref<!tpu.dma_semaphore, #tpu.memory_space<semaphore_mem>>)
      } else {
      }
      %mul3A_92 = arith.constant 4 : i32
      %mul3A_93 = arith.muli %mul3A_92, %scan3A_39 : i32
      %add3A_94 = arith.constant 2 : i32
      %add3A_95 = arith.addi %mul3A_93, %add3A_94 : i32
      %dma_wait3A_96 = arith.constant 0 : i32
      %dma_wait3A_97 = tpu.memref_slice %arg3[%dma_wait3A_96] : memref<320000xi32, #tpu.memory_space<hbm>> -> memref<128xi32, #tpu.memory_space<hbm>>
      %dma_wait3A_98 = arith.constant 0 : i32
      %dma_wait3A_99 = tpu.memref_slice %arg3[%dma_wait3A_98] : memref<320000xi32, #tpu.memory_space<hbm>> -> memref<128xi32, #tpu.memory_space<hbm>>
      tpu.wait_dma2 semaphore(%arg27 : memref<!tpu.dma_semaphore, #tpu.memory_space<semaphore_mem>>) src(%dma_wait3A_99 : memref<128xi32, #tpu.memory_space<hbm>>) dst(%arg12 : memref<128xi32, #tpu.memory_space<vmem>>)
      %dma_wait3A_100 = arith.constant 0 : i32
      %dma_wait3A_101 = tpu.memref_slice %arg4[%dma_wait3A_100] : memref<320000xi32, #tpu.memory_space<hbm>> -> memref<128xi32, #tpu.memory_space<hbm>>
      %dma_wait3A_102 = arith.constant 0 : i32
      %dma_wait3A_103 = tpu.memref_slice %arg4[%dma_wait3A_102] : memref<320000xi32, #tpu.memory_space<hbm>> -> memref<128xi32, #tpu.memory_space<hbm>>
      tpu.wait_dma2 semaphore(%arg27 : memref<!tpu.dma_semaphore, #tpu.memory_space<semaphore_mem>>) src(%dma_wait3A_103 : memref<128xi32, #tpu.memory_space<hbm>>) dst(%arg16 : memref<128xi32, #tpu.memory_space<vmem>>)
      %dma_wait3A_104 = arith.constant 0 : i32
      %dma_wait3A_105 = arith.constant 0 : i32
      %dma_wait3A_106 = tpu.memref_slice %arg8[%dma_wait3A_104, %dma_wait3A_105] : memref<10112x128xf32, #tpu.memory_space<vmem_shared>> -> memref<10112x128xf32, #tpu.memory_space<vmem_shared>>
      tpu.wait_indirect_dma semaphore(%arg29 : memref<!tpu.dma_semaphore, #tpu.memory_space<semaphore_mem>>) src(%arg19 : memref<128x128xf32, #tpu.memory_space<vmem>>) dst(%dma_wait3A_106 : memref<10112x128xf32, #tpu.memory_space<vmem_shared>>)
      "tpu.region"() ({
        %run_scoped3A = tpu.sem_alloc : memref<!tpu.dma_semaphore, #tpu.memory_space<semaphore_mem>>
        %dma_start3A_142 = arith.constant 0 : i32
        %dma_start3A_143 = tpu.memref_slice %arg9[%dma_start3A_142] : memref<10000xi32, #tpu.memory_space<vmem_shared>> -> memref<10000xi32, #tpu.memory_space<vmem_shared>>
        tpu.enqueue_indirect_dma source(%dma_start3A_143 : memref<10000xi32, #tpu.memory_space<vmem_shared>>) target(%arg18 : memref<128xi32, #tpu.memory_space<vmem>>) offsets(%arg12 : memref<128xi32, #tpu.memory_space<vmem>>) semaphore(%run_scoped3A : memref<!tpu.dma_semaphore, #tpu.memory_space<semaphore_mem>>)
        %dma_wait3A_144 = arith.constant 0 : i32
        %dma_wait3A_145 = tpu.memref_slice %arg9[%dma_wait3A_144] : memref<10000xi32, #tpu.memory_space<vmem_shared>> -> memref<10000xi32, #tpu.memory_space<vmem_shared>>
        tpu.wait_indirect_dma semaphore(%run_scoped3A : memref<!tpu.dma_semaphore, #tpu.memory_space<semaphore_mem>>) src(%dma_wait3A_145 : memref<10000xi32, #tpu.memory_space<vmem_shared>>) dst(%arg18 : memref<128xi32, #tpu.memory_space<vmem>>)
        tpu.yield
      }) : () -> ()
      "tpu.region"() ({
        %run_scoped3A = tpu.sem_alloc : memref<!tpu.dma_semaphore, #tpu.memory_space<semaphore_mem>>
        %dma_start3A_142 = arith.constant 0 : i32
        %dma_start3A_143 = arith.constant 0 : i32
        %dma_start3A_144 = tpu.memref_slice %arg5[%dma_start3A_142, %dma_start3A_143] : memref<512x128xf32, #tpu.memory_space<hbm>> -> memref<512x128xf32, #tpu.memory_space<hbm>>
        tpu.enqueue_indirect_dma source(%dma_start3A_144 : memref<512x128xf32, #tpu.memory_space<hbm>>) target(%arg19 : memref<128x128xf32, #tpu.memory_space<vmem>>) offsets(%arg18 : memref<128xi32, #tpu.memory_space<vmem>>) semaphore(%run_scoped3A : memref<!tpu.dma_semaphore, #tpu.memory_space<semaphore_mem>>)
        %dma_wait3A_145 = arith.constant 0 : i32
        %dma_wait3A_146 = arith.constant 0 : i32
        %dma_wait3A_147 = tpu.memref_slice %arg5[%dma_wait3A_145, %dma_wait3A_146] : memref<512x128xf32, #tpu.memory_space<hbm>> -> memref<512x128xf32, #tpu.memory_space<hbm>>
        tpu.wait_indirect_dma semaphore(%run_scoped3A : memref<!tpu.dma_semaphore, #tpu.memory_space<semaphore_mem>>) src(%dma_wait3A_147 : memref<512x128xf32, #tpu.memory_space<hbm>>) dst(%arg19 : memref<128x128xf32, #tpu.memory_space<vmem>>)
        tpu.yield
      }) : () -> ()
      %dma_start3A_107 = arith.constant 0 : i32
      %dma_start3A_108 = arith.constant 0 : i32
      %dma_start3A_109 = tpu.memref_slice %arg8[%dma_start3A_107, %dma_start3A_108] : memref<10112x128xf32, #tpu.memory_space<vmem_shared>> -> memref<10112x128xf32, #tpu.memory_space<vmem_shared>>
      tpu.enqueue_indirect_dma source(%arg19 : memref<128x128xf32, #tpu.memory_space<vmem>>) target(%dma_start3A_109 : memref<10112x128xf32, #tpu.memory_space<vmem_shared>>) offsets(%arg16 : memref<128xi32, #tpu.memory_space<vmem>>) semaphore(%arg29 : memref<!tpu.dma_semaphore, #tpu.memory_space<semaphore_mem>>) {add = true}
      %add3A_110 = arith.constant 2 : i32
      %add3A_111 = arith.addi %add3A_95, %add3A_110 : i32
      %lt3A_112 = arith.constant 76 : i32
      %lt3A_113 = arith.cmpi slt, %add3A_111, %lt3A_112 : i32
      %convert_element_type3A_114 = arith.extui %lt3A_113 : i1 to i32
      %cond3A_115 = arith.constant 0 : i32
      %cond3A_116 = arith.cmpi ne, %convert_element_type3A_114, %cond3A_115 : i32
      scf.if %cond3A_116 {
        %add3A_142 = arith.constant 2 : i32
        %add3A_143 = arith.addi %add3A_95, %add3A_142 : i32
        %mul3A_144 = arith.constant 128 : i32
        %mul3A_145 = arith.muli %add3A_143, %mul3A_144 : i32
        %add3A_146 = arith.addi %mul3A_6, %mul3A_145 : i32
        %dma_start3A_147 = tpu.memref_slice %arg3[%add3A_146] : memref<320000xi32, #tpu.memory_space<hbm>> -> memref<128xi32, #tpu.memory_space<hbm>>
        %dma_start3A_148 = tpu.memref_slice %arg3[%add3A_146] : memref<320000xi32, #tpu.memory_space<hbm>> -> memref<128xi32, #tpu.memory_space<hbm>>
        tpu.enqueue_dma source(%dma_start3A_148 : memref<128xi32, #tpu.memory_space<hbm>>) target(%arg10 : memref<128xi32, #tpu.memory_space<vmem>>) target_semaphore(%arg25 : memref<!tpu.dma_semaphore, #tpu.memory_space<semaphore_mem>>)
        %dma_start3A_149 = tpu.memref_slice %arg4[%add3A_146] : memref<320000xi32, #tpu.memory_space<hbm>> -> memref<128xi32, #tpu.memory_space<hbm>>
        %dma_start3A_150 = tpu.memref_slice %arg4[%add3A_146] : memref<320000xi32, #tpu.memory_space<hbm>> -> memref<128xi32, #tpu.memory_space<hbm>>
        tpu.enqueue_dma source(%dma_start3A_150 : memref<128xi32, #tpu.memory_space<hbm>>) target(%arg14 : memref<128xi32, #tpu.memory_space<vmem>>) target_semaphore(%arg25 : memref<!tpu.dma_semaphore, #tpu.memory_space<semaphore_mem>>)
      } else {
      }
      %mul3A_117 = arith.constant 4 : i32
      %mul3A_118 = arith.muli %mul3A_117, %scan3A_39 : i32
      %add3A_119 = arith.constant 3 : i32
      %add3A_120 = arith.addi %mul3A_118, %add3A_119 : i32
      %dma_wait3A_121 = arith.constant 0 : i32
      %dma_wait3A_122 = tpu.memref_slice %arg3[%dma_wait3A_121] : memref<320000xi32, #tpu.memory_space<hbm>> -> memref<128xi32, #tpu.memory_space<hbm>>
      %dma_wait3A_123 = arith.constant 0 : i32
      %dma_wait3A_124 = tpu.memref_slice %arg3[%dma_wait3A_123] : memref<320000xi32, #tpu.memory_space<hbm>> -> memref<128xi32, #tpu.memory_space<hbm>>
      tpu.wait_dma2 semaphore(%arg28 : memref<!tpu.dma_semaphore, #tpu.memory_space<semaphore_mem>>) src(%dma_wait3A_124 : memref<128xi32, #tpu.memory_space<hbm>>) dst(%arg13 : memref<128xi32, #tpu.memory_space<vmem>>)
      %dma_wait3A_125 = arith.constant 0 : i32
      %dma_wait3A_126 = tpu.memref_slice %arg4[%dma_wait3A_125] : memref<320000xi32, #tpu.memory_space<hbm>> -> memref<128xi32, #tpu.memory_space<hbm>>
      %dma_wait3A_127 = arith.constant 0 : i32
      %dma_wait3A_128 = tpu.memref_slice %arg4[%dma_wait3A_127] : memref<320000xi32, #tpu.memory_space<hbm>> -> memref<128xi32, #tpu.memory_space<hbm>>
      tpu.wait_dma2 semaphore(%arg28 : memref<!tpu.dma_semaphore, #tpu.memory_space<semaphore_mem>>) src(%dma_wait3A_128 : memref<128xi32, #tpu.memory_space<hbm>>) dst(%arg17 : memref<128xi32, #tpu.memory_space<vmem>>)
      %dma_wait3A_129 = arith.constant 0 : i32
      %dma_wait3A_130 = arith.constant 0 : i32
      %dma_wait3A_131 = tpu.memref_slice %arg8[%dma_wait3A_129, %dma_wait3A_130] : memref<10112x128xf32, #tpu.memory_space<vmem_shared>> -> memref<10112x128xf32, #tpu.memory_space<vmem_shared>>
      tpu.wait_indirect_dma semaphore(%arg30 : memref<!tpu.dma_semaphore, #tpu.memory_space<semaphore_mem>>) src(%arg20 : memref<128x128xf32, #tpu.memory_space<vmem>>) dst(%dma_wait3A_131 : memref<10112x128xf32, #tpu.memory_space<vmem_shared>>)
      "tpu.region"() ({
        %run_scoped3A = tpu.sem_alloc : memref<!tpu.dma_semaphore, #tpu.memory_space<semaphore_mem>>
        %dma_start3A_142 = arith.constant 0 : i32
        %dma_start3A_143 = tpu.memref_slice %arg9[%dma_start3A_142] : memref<10000xi32, #tpu.memory_space<vmem_shared>> -> memref<10000xi32, #tpu.memory_space<vmem_shared>>
        tpu.enqueue_indirect_dma source(%dma_start3A_143 : memref<10000xi32, #tpu.memory_space<vmem_shared>>) target(%arg18 : memref<128xi32, #tpu.memory_space<vmem>>) offsets(%arg13 : memref<128xi32, #tpu.memory_space<vmem>>) semaphore(%run_scoped3A : memref<!tpu.dma_semaphore, #tpu.memory_space<semaphore_mem>>)
        %dma_wait3A_144 = arith.constant 0 : i32
        %dma_wait3A_145 = tpu.memref_slice %arg9[%dma_wait3A_144] : memref<10000xi32, #tpu.memory_space<vmem_shared>> -> memref<10000xi32, #tpu.memory_space<vmem_shared>>
        tpu.wait_indirect_dma semaphore(%run_scoped3A : memref<!tpu.dma_semaphore, #tpu.memory_space<semaphore_mem>>) src(%dma_wait3A_145 : memref<10000xi32, #tpu.memory_space<vmem_shared>>) dst(%arg18 : memref<128xi32, #tpu.memory_space<vmem>>)
        tpu.yield
      }) : () -> ()
      "tpu.region"() ({
        %run_scoped3A = tpu.sem_alloc : memref<!tpu.dma_semaphore, #tpu.memory_space<semaphore_mem>>
        %dma_start3A_142 = arith.constant 0 : i32
        %dma_start3A_143 = arith.constant 0 : i32
        %dma_start3A_144 = tpu.memref_slice %arg5[%dma_start3A_142, %dma_start3A_143] : memref<512x128xf32, #tpu.memory_space<hbm>> -> memref<512x128xf32, #tpu.memory_space<hbm>>
        tpu.enqueue_indirect_dma source(%dma_start3A_144 : memref<512x128xf32, #tpu.memory_space<hbm>>) target(%arg20 : memref<128x128xf32, #tpu.memory_space<vmem>>) offsets(%arg18 : memref<128xi32, #tpu.memory_space<vmem>>) semaphore(%run_scoped3A : memref<!tpu.dma_semaphore, #tpu.memory_space<semaphore_mem>>)
        %dma_wait3A_145 = arith.constant 0 : i32
        %dma_wait3A_146 = arith.constant 0 : i32
        %dma_wait3A_147 = tpu.memref_slice %arg5[%dma_wait3A_145, %dma_wait3A_146] : memref<512x128xf32, #tpu.memory_space<hbm>> -> memref<512x128xf32, #tpu.memory_space<hbm>>
        tpu.wait_indirect_dma semaphore(%run_scoped3A : memref<!tpu.dma_semaphore, #tpu.memory_space<semaphore_mem>>) src(%dma_wait3A_147 : memref<512x128xf32, #tpu.memory_space<hbm>>) dst(%arg20 : memref<128x128xf32, #tpu.memory_space<vmem>>)
        tpu.yield
      }) : () -> ()
      %dma_start3A_132 = arith.constant 0 : i32
      %dma_start3A_133 = arith.constant 0 : i32
      %dma_start3A_134 = tpu.memref_slice %arg8[%dma_start3A_132, %dma_start3A_133] : memref<10112x128xf32, #tpu.memory_space<vmem_shared>> -> memref<10112x128xf32, #tpu.memory_space<vmem_shared>>
      tpu.enqueue_indirect_dma source(%arg20 : memref<128x128xf32, #tpu.memory_space<vmem>>) target(%dma_start3A_134 : memref<10112x128xf32, #tpu.memory_space<vmem_shared>>) offsets(%arg17 : memref<128xi32, #tpu.memory_space<vmem>>) semaphore(%arg30 : memref<!tpu.dma_semaphore, #tpu.memory_space<semaphore_mem>>) {add = true}
      %add3A_135 = arith.constant 2 : i32
      %add3A_136 = arith.addi %add3A_120, %add3A_135 : i32
      %lt3A_137 = arith.constant 76 : i32
      %lt3A_138 = arith.cmpi slt, %add3A_136, %lt3A_137 : i32
      %convert_element_type3A_139 = arith.extui %lt3A_138 : i1 to i32
      %cond3A_140 = arith.constant 0 : i32
      %cond3A_141 = arith.cmpi ne, %convert_element_type3A_139, %cond3A_140 : i32
      scf.if %cond3A_141 {
        %add3A_142 = arith.constant 2 : i32
        %add3A_143 = arith.addi %add3A_120, %add3A_142 : i32
        %mul3A_144 = arith.constant 128 : i32
        %mul3A_145 = arith.muli %add3A_143, %mul3A_144 : i32
        %add3A_146 = arith.addi %mul3A_6, %mul3A_145 : i32
        %dma_start3A_147 = tpu.memref_slice %arg3[%add3A_146] : memref<320000xi32, #tpu.memory_space<hbm>> -> memref<128xi32, #tpu.memory_space<hbm>>
        %dma_start3A_148 = tpu.memref_slice %arg3[%add3A_146] : memref<320000xi32, #tpu.memory_space<hbm>> -> memref<128xi32, #tpu.memory_space<hbm>>
        tpu.enqueue_dma source(%dma_start3A_148 : memref<128xi32, #tpu.memory_space<hbm>>) target(%arg11 : memref<128xi32, #tpu.memory_space<vmem>>) target_semaphore(%arg26 : memref<!tpu.dma_semaphore, #tpu.memory_space<semaphore_mem>>)
        %dma_start3A_149 = tpu.memref_slice %arg4[%add3A_146] : memref<320000xi32, #tpu.memory_space<hbm>> -> memref<128xi32, #tpu.memory_space<hbm>>
        %dma_start3A_150 = tpu.memref_slice %arg4[%add3A_146] : memref<320000xi32, #tpu.memory_space<hbm>> -> memref<128xi32, #tpu.memory_space<hbm>>
        tpu.enqueue_dma source(%dma_start3A_150 : memref<128xi32, #tpu.memory_space<hbm>>) target(%arg15 : memref<128xi32, #tpu.memory_space<vmem>>) target_semaphore(%arg26 : memref<!tpu.dma_semaphore, #tpu.memory_space<semaphore_mem>>)
      } else {
      }
    }
    %scan3A_22 = arith.constant 19 : i32
    %dma_wait3A = arith.constant 0 : i32
    %dma_wait3A_23 = arith.constant 0 : i32
    %dma_wait3A_24 = tpu.memref_slice %arg8[%dma_wait3A, %dma_wait3A_23] : memref<10112x128xf32, #tpu.memory_space<vmem_shared>> -> memref<10112x128xf32, #tpu.memory_space<vmem_shared>>
    tpu.wait_indirect_dma semaphore(%arg29 : memref<!tpu.dma_semaphore, #tpu.memory_space<semaphore_mem>>) src(%arg19 : memref<128x128xf32, #tpu.memory_space<vmem>>) dst(%dma_wait3A_24 : memref<10112x128xf32, #tpu.memory_space<vmem_shared>>)
    %dma_wait3A_25 = arith.constant 0 : i32
    %dma_wait3A_26 = arith.constant 0 : i32
    %dma_wait3A_27 = tpu.memref_slice %arg8[%dma_wait3A_25, %dma_wait3A_26] : memref<10112x128xf32, #tpu.memory_space<vmem_shared>> -> memref<10112x128xf32, #tpu.memory_space<vmem_shared>>
    tpu.wait_indirect_dma semaphore(%arg30 : memref<!tpu.dma_semaphore, #tpu.memory_space<semaphore_mem>>) src(%arg20 : memref<128x128xf32, #tpu.memory_space<vmem>>) dst(%dma_wait3A_27 : memref<10112x128xf32, #tpu.memory_space<vmem_shared>>)
    %add3A_28 = arith.constant 9728 : i32
    %add3A_29 = arith.addi %mul3A_6, %add3A_28 : i32
    "tpu.region"() ({
      %run_scoped3A = tpu.sem_alloc : memref<!tpu.dma_semaphore, #tpu.memory_space<semaphore_mem>>
      %dma_start3A_39 = tpu.memref_slice %arg3[%add3A_29] : memref<320000xi32, #tpu.memory_space<hbm>> -> memref<128xi32, #tpu.memory_space<hbm>>
      %dma_start3A_40 = tpu.memref_slice %arg3[%add3A_29] : memref<320000xi32, #tpu.memory_space<hbm>> -> memref<128xi32, #tpu.memory_space<hbm>>
      tpu.enqueue_dma source(%dma_start3A_40 : memref<128xi32, #tpu.memory_space<hbm>>) target(%arg10 : memref<128xi32, #tpu.memory_space<vmem>>) target_semaphore(%run_scoped3A : memref<!tpu.dma_semaphore, #tpu.memory_space<semaphore_mem>>)
      %dma_wait3A_41 = tpu.memref_slice %arg3[%add3A_29] : memref<320000xi32, #tpu.memory_space<hbm>> -> memref<128xi32, #tpu.memory_space<hbm>>
      %dma_wait3A_42 = tpu.memref_slice %arg3[%add3A_29] : memref<320000xi32, #tpu.memory_space<hbm>> -> memref<128xi32, #tpu.memory_space<hbm>>
      tpu.wait_dma2 semaphore(%run_scoped3A : memref<!tpu.dma_semaphore, #tpu.memory_space<semaphore_mem>>) src(%dma_wait3A_42 : memref<128xi32, #tpu.memory_space<hbm>>) dst(%arg10 : memref<128xi32, #tpu.memory_space<vmem>>)
      tpu.yield
    }) : () -> ()
    "tpu.region"() ({
      %run_scoped3A = tpu.sem_alloc : memref<!tpu.dma_semaphore, #tpu.memory_space<semaphore_mem>>
      %dma_start3A_39 = tpu.memref_slice %arg4[%add3A_29] : memref<320000xi32, #tpu.memory_space<hbm>> -> memref<128xi32, #tpu.memory_space<hbm>>
      %dma_start3A_40 = tpu.memref_slice %arg4[%add3A_29] : memref<320000xi32, #tpu.memory_space<hbm>> -> memref<128xi32, #tpu.memory_space<hbm>>
      tpu.enqueue_dma source(%dma_start3A_40 : memref<128xi32, #tpu.memory_space<hbm>>) target(%arg14 : memref<128xi32, #tpu.memory_space<vmem>>) target_semaphore(%run_scoped3A : memref<!tpu.dma_semaphore, #tpu.memory_space<semaphore_mem>>)
      %dma_wait3A_41 = tpu.memref_slice %arg4[%add3A_29] : memref<320000xi32, #tpu.memory_space<hbm>> -> memref<128xi32, #tpu.memory_space<hbm>>
      %dma_wait3A_42 = tpu.memref_slice %arg4[%add3A_29] : memref<320000xi32, #tpu.memory_space<hbm>> -> memref<128xi32, #tpu.memory_space<hbm>>
      tpu.wait_dma2 semaphore(%run_scoped3A : memref<!tpu.dma_semaphore, #tpu.memory_space<semaphore_mem>>) src(%dma_wait3A_42 : memref<128xi32, #tpu.memory_space<hbm>>) dst(%arg14 : memref<128xi32, #tpu.memory_space<vmem>>)
      tpu.yield
    }) : () -> ()
    "tpu.region"() ({
      %run_scoped3A = tpu.sem_alloc : memref<!tpu.dma_semaphore, #tpu.memory_space<semaphore_mem>>
      %dma_start3A_39 = arith.constant 0 : i32
      %dma_start3A_40 = tpu.memref_slice %arg9[%dma_start3A_39] : memref<10000xi32, #tpu.memory_space<vmem_shared>> -> memref<10000xi32, #tpu.memory_space<vmem_shared>>
      tpu.enqueue_indirect_dma source(%dma_start3A_40 : memref<10000xi32, #tpu.memory_space<vmem_shared>>) target(%arg18 : memref<128xi32, #tpu.memory_space<vmem>>) offsets(%arg10 : memref<128xi32, #tpu.memory_space<vmem>>) semaphore(%run_scoped3A : memref<!tpu.dma_semaphore, #tpu.memory_space<semaphore_mem>>)
      %dma_wait3A_41 = arith.constant 0 : i32
      %dma_wait3A_42 = tpu.memref_slice %arg9[%dma_wait3A_41] : memref<10000xi32, #tpu.memory_space<vmem_shared>> -> memref<10000xi32, #tpu.memory_space<vmem_shared>>
      tpu.wait_indirect_dma semaphore(%run_scoped3A : memref<!tpu.dma_semaphore, #tpu.memory_space<semaphore_mem>>) src(%dma_wait3A_42 : memref<10000xi32, #tpu.memory_space<vmem_shared>>) dst(%arg18 : memref<128xi32, #tpu.memory_space<vmem>>)
      tpu.yield
    }) : () -> ()
    "tpu.region"() ({
      %run_scoped3A = tpu.sem_alloc : memref<!tpu.dma_semaphore, #tpu.memory_space<semaphore_mem>>
      %dma_start3A_39 = arith.constant 0 : i32
      %dma_start3A_40 = arith.constant 0 : i32
      %dma_start3A_41 = tpu.memref_slice %arg5[%dma_start3A_39, %dma_start3A_40] : memref<512x128xf32, #tpu.memory_space<hbm>> -> memref<512x128xf32, #tpu.memory_space<hbm>>
      tpu.enqueue_indirect_dma source(%dma_start3A_41 : memref<512x128xf32, #tpu.memory_space<hbm>>) target(%arg19 : memref<128x128xf32, #tpu.memory_space<vmem>>) offsets(%arg18 : memref<128xi32, #tpu.memory_space<vmem>>) semaphore(%run_scoped3A : memref<!tpu.dma_semaphore, #tpu.memory_space<semaphore_mem>>)
      %dma_wait3A_42 = arith.constant 0 : i32
      %dma_wait3A_43 = arith.constant 0 : i32
      %dma_wait3A_44 = tpu.memref_slice %arg5[%dma_wait3A_42, %dma_wait3A_43] : memref<512x128xf32, #tpu.memory_space<hbm>> -> memref<512x128xf32, #tpu.memory_space<hbm>>
      tpu.wait_indirect_dma semaphore(%run_scoped3A : memref<!tpu.dma_semaphore, #tpu.memory_space<semaphore_mem>>) src(%dma_wait3A_44 : memref<512x128xf32, #tpu.memory_space<hbm>>) dst(%arg19 : memref<128x128xf32, #tpu.memory_space<vmem>>)
      tpu.yield
    }) : () -> ()
    "tpu.region"() ({
      %run_scoped3A = tpu.sem_alloc : memref<!tpu.dma_semaphore, #tpu.memory_space<semaphore_mem>>
      %dma_start3A_39 = arith.constant 0 : i32
      %dma_start3A_40 = arith.constant 0 : i32
      %dma_start3A_41 = tpu.memref_slice %arg8[%dma_start3A_39, %dma_start3A_40] : memref<10112x128xf32, #tpu.memory_space<vmem_shared>> -> memref<10112x128xf32, #tpu.memory_space<vmem_shared>>
      tpu.enqueue_indirect_dma source(%arg19 : memref<128x128xf32, #tpu.memory_space<vmem>>) target(%dma_start3A_41 : memref<10112x128xf32, #tpu.memory_space<vmem_shared>>) offsets(%arg14 : memref<128xi32, #tpu.memory_space<vmem>>) semaphore(%run_scoped3A : memref<!tpu.dma_semaphore, #tpu.memory_space<semaphore_mem>>) {add = true}
      %dma_wait3A_42 = arith.constant 0 : i32
      %dma_wait3A_43 = arith.constant 0 : i32
      %dma_wait3A_44 = tpu.memref_slice %arg8[%dma_wait3A_42, %dma_wait3A_43] : memref<10112x128xf32, #tpu.memory_space<vmem_shared>> -> memref<10112x128xf32, #tpu.memory_space<vmem_shared>>
      tpu.wait_indirect_dma semaphore(%run_scoped3A : memref<!tpu.dma_semaphore, #tpu.memory_space<semaphore_mem>>) src(%arg19 : memref<128x128xf32, #tpu.memory_space<vmem>>) dst(%dma_wait3A_44 : memref<10112x128xf32, #tpu.memory_space<vmem_shared>>)
      tpu.yield
    }) : () -> ()
    %add3A_30 = arith.constant 9856 : i32
    %add3A_31 = arith.addi %mul3A_6, %add3A_30 : i32
    "tpu.region"() ({
      %run_scoped3A = tpu.sem_alloc : memref<!tpu.dma_semaphore, #tpu.memory_space<semaphore_mem>>
      %dma_start3A_39 = tpu.memref_slice %arg3[%add3A_31] : memref<320000xi32, #tpu.memory_space<hbm>> -> memref<128xi32, #tpu.memory_space<hbm>>
      %dma_start3A_40 = tpu.memref_slice %arg3[%add3A_31] : memref<320000xi32, #tpu.memory_space<hbm>> -> memref<128xi32, #tpu.memory_space<hbm>>
      tpu.enqueue_dma source(%dma_start3A_40 : memref<128xi32, #tpu.memory_space<hbm>>) target(%arg10 : memref<128xi32, #tpu.memory_space<vmem>>) target_semaphore(%run_scoped3A : memref<!tpu.dma_semaphore, #tpu.memory_space<semaphore_mem>>)
      %dma_wait3A_41 = tpu.memref_slice %arg3[%add3A_31] : memref<320000xi32, #tpu.memory_space<hbm>> -> memref<128xi32, #tpu.memory_space<hbm>>
      %dma_wait3A_42 = tpu.memref_slice %arg3[%add3A_31] : memref<320000xi32, #tpu.memory_space<hbm>> -> memref<128xi32, #tpu.memory_space<hbm>>
      tpu.wait_dma2 semaphore(%run_scoped3A : memref<!tpu.dma_semaphore, #tpu.memory_space<semaphore_mem>>) src(%dma_wait3A_42 : memref<128xi32, #tpu.memory_space<hbm>>) dst(%arg10 : memref<128xi32, #tpu.memory_space<vmem>>)
      tpu.yield
    }) : () -> ()
    "tpu.region"() ({
      %run_scoped3A = tpu.sem_alloc : memref<!tpu.dma_semaphore, #tpu.memory_space<semaphore_mem>>
      %dma_start3A_39 = tpu.memref_slice %arg4[%add3A_31] : memref<320000xi32, #tpu.memory_space<hbm>> -> memref<128xi32, #tpu.memory_space<hbm>>
      %dma_start3A_40 = tpu.memref_slice %arg4[%add3A_31] : memref<320000xi32, #tpu.memory_space<hbm>> -> memref<128xi32, #tpu.memory_space<hbm>>
      tpu.enqueue_dma source(%dma_start3A_40 : memref<128xi32, #tpu.memory_space<hbm>>) target(%arg14 : memref<128xi32, #tpu.memory_space<vmem>>) target_semaphore(%run_scoped3A : memref<!tpu.dma_semaphore, #tpu.memory_space<semaphore_mem>>)
      %dma_wait3A_41 = tpu.memref_slice %arg4[%add3A_31] : memref<320000xi32, #tpu.memory_space<hbm>> -> memref<128xi32, #tpu.memory_space<hbm>>
      %dma_wait3A_42 = tpu.memref_slice %arg4[%add3A_31] : memref<320000xi32, #tpu.memory_space<hbm>> -> memref<128xi32, #tpu.memory_space<hbm>>
      tpu.wait_dma2 semaphore(%run_scoped3A : memref<!tpu.dma_semaphore, #tpu.memory_space<semaphore_mem>>) src(%dma_wait3A_42 : memref<128xi32, #tpu.memory_space<hbm>>) dst(%arg14 : memref<128xi32, #tpu.memory_space<vmem>>)
      tpu.yield
    }) : () -> ()
    "tpu.region"() ({
      %run_scoped3A = tpu.sem_alloc : memref<!tpu.dma_semaphore, #tpu.memory_space<semaphore_mem>>
      %dma_start3A_39 = arith.constant 0 : i32
      %dma_start3A_40 = tpu.memref_slice %arg9[%dma_start3A_39] : memref<10000xi32, #tpu.memory_space<vmem_shared>> -> memref<10000xi32, #tpu.memory_space<vmem_shared>>
      tpu.enqueue_indirect_dma source(%dma_start3A_40 : memref<10000xi32, #tpu.memory_space<vmem_shared>>) target(%arg18 : memref<128xi32, #tpu.memory_space<vmem>>) offsets(%arg10 : memref<128xi32, #tpu.memory_space<vmem>>) semaphore(%run_scoped3A : memref<!tpu.dma_semaphore, #tpu.memory_space<semaphore_mem>>)
      %dma_wait3A_41 = arith.constant 0 : i32
      %dma_wait3A_42 = tpu.memref_slice %arg9[%dma_wait3A_41] : memref<10000xi32, #tpu.memory_space<vmem_shared>> -> memref<10000xi32, #tpu.memory_space<vmem_shared>>
      tpu.wait_indirect_dma semaphore(%run_scoped3A : memref<!tpu.dma_semaphore, #tpu.memory_space<semaphore_mem>>) src(%dma_wait3A_42 : memref<10000xi32, #tpu.memory_space<vmem_shared>>) dst(%arg18 : memref<128xi32, #tpu.memory_space<vmem>>)
      tpu.yield
    }) : () -> ()
    "tpu.region"() ({
      %run_scoped3A = tpu.sem_alloc : memref<!tpu.dma_semaphore, #tpu.memory_space<semaphore_mem>>
      %dma_start3A_39 = arith.constant 0 : i32
      %dma_start3A_40 = arith.constant 0 : i32
      %dma_start3A_41 = tpu.memref_slice %arg5[%dma_start3A_39, %dma_start3A_40] : memref<512x128xf32, #tpu.memory_space<hbm>> -> memref<512x128xf32, #tpu.memory_space<hbm>>
      tpu.enqueue_indirect_dma source(%dma_start3A_41 : memref<512x128xf32, #tpu.memory_space<hbm>>) target(%arg19 : memref<128x128xf32, #tpu.memory_space<vmem>>) offsets(%arg18 : memref<128xi32, #tpu.memory_space<vmem>>) semaphore(%run_scoped3A : memref<!tpu.dma_semaphore, #tpu.memory_space<semaphore_mem>>)
      %dma_wait3A_42 = arith.constant 0 : i32
      %dma_wait3A_43 = arith.constant 0 : i32
      %dma_wait3A_44 = tpu.memref_slice %arg5[%dma_wait3A_42, %dma_wait3A_43] : memref<512x128xf32, #tpu.memory_space<hbm>> -> memref<512x128xf32, #tpu.memory_space<hbm>>
      tpu.wait_indirect_dma semaphore(%run_scoped3A : memref<!tpu.dma_semaphore, #tpu.memory_space<semaphore_mem>>) src(%dma_wait3A_44 : memref<512x128xf32, #tpu.memory_space<hbm>>) dst(%arg19 : memref<128x128xf32, #tpu.memory_space<vmem>>)
      tpu.yield
    }) : () -> ()
    "tpu.region"() ({
      %run_scoped3A = tpu.sem_alloc : memref<!tpu.dma_semaphore, #tpu.memory_space<semaphore_mem>>
      %dma_start3A_39 = arith.constant 0 : i32
      %dma_start3A_40 = arith.constant 0 : i32
      %dma_start3A_41 = tpu.memref_slice %arg8[%dma_start3A_39, %dma_start3A_40] : memref<10112x128xf32, #tpu.memory_space<vmem_shared>> -> memref<10112x128xf32, #tpu.memory_space<vmem_shared>>
      tpu.enqueue_indirect_dma source(%arg19 : memref<128x128xf32, #tpu.memory_space<vmem>>) target(%dma_start3A_41 : memref<10112x128xf32, #tpu.memory_space<vmem_shared>>) offsets(%arg14 : memref<128xi32, #tpu.memory_space<vmem>>) semaphore(%run_scoped3A : memref<!tpu.dma_semaphore, #tpu.memory_space<semaphore_mem>>) {add = true}
      %dma_wait3A_42 = arith.constant 0 : i32
      %dma_wait3A_43 = arith.constant 0 : i32
      %dma_wait3A_44 = tpu.memref_slice %arg8[%dma_wait3A_42, %dma_wait3A_43] : memref<10112x128xf32, #tpu.memory_space<vmem_shared>> -> memref<10112x128xf32, #tpu.memory_space<vmem_shared>>
      tpu.wait_indirect_dma semaphore(%run_scoped3A : memref<!tpu.dma_semaphore, #tpu.memory_space<semaphore_mem>>) src(%arg19 : memref<128x128xf32, #tpu.memory_space<vmem>>) dst(%dma_wait3A_44 : memref<10112x128xf32, #tpu.memory_space<vmem_shared>>)
      tpu.yield
    }) : () -> ()
    %add3A_32 = arith.constant 9984 : i32
    %add3A_33 = arith.addi %mul3A_6, %add3A_32 : i32
    "tpu.region"() ({
      %run_scoped3A = tpu.sem_alloc : memref<!tpu.dma_semaphore, #tpu.memory_space<semaphore_mem>>
      %dma_start3A_39 = tpu.memref_slice %arg3[%add3A_33] : memref<320000xi32, #tpu.memory_space<hbm>> -> memref<16xi32, #tpu.memory_space<hbm>>
      %dma_start3A_40 = tpu.memref_slice %arg3[%add3A_33] : memref<320000xi32, #tpu.memory_space<hbm>> -> memref<16xi32, #tpu.memory_space<hbm>>
      tpu.enqueue_dma source(%dma_start3A_40 : memref<16xi32, #tpu.memory_space<hbm>>) target(%arg21 : memref<16xi32, #tpu.memory_space<vmem>>) target_semaphore(%run_scoped3A : memref<!tpu.dma_semaphore, #tpu.memory_space<semaphore_mem>>)
      %dma_wait3A_41 = tpu.memref_slice %arg3[%add3A_33] : memref<320000xi32, #tpu.memory_space<hbm>> -> memref<16xi32, #tpu.memory_space<hbm>>
      %dma_wait3A_42 = tpu.memref_slice %arg3[%add3A_33] : memref<320000xi32, #tpu.memory_space<hbm>> -> memref<16xi32, #tpu.memory_space<hbm>>
      tpu.wait_dma2 semaphore(%run_scoped3A : memref<!tpu.dma_semaphore, #tpu.memory_space<semaphore_mem>>) src(%dma_wait3A_42 : memref<16xi32, #tpu.memory_space<hbm>>) dst(%arg21 : memref<16xi32, #tpu.memory_space<vmem>>)
      tpu.yield
    }) : () -> ()
    "tpu.region"() ({
      %run_scoped3A = tpu.sem_alloc : memref<!tpu.dma_semaphore, #tpu.memory_space<semaphore_mem>>
      %dma_start3A_39 = tpu.memref_slice %arg4[%add3A_33] : memref<320000xi32, #tpu.memory_space<hbm>> -> memref<16xi32, #tpu.memory_space<hbm>>
      %dma_start3A_40 = tpu.memref_slice %arg4[%add3A_33] : memref<320000xi32, #tpu.memory_space<hbm>> -> memref<16xi32, #tpu.memory_space<hbm>>
      tpu.enqueue_dma source(%dma_start3A_40 : memref<16xi32, #tpu.memory_space<hbm>>) target(%arg22 : memref<16xi32, #tpu.memory_space<vmem>>) target_semaphore(%run_scoped3A : memref<!tpu.dma_semaphore, #tpu.memory_space<semaphore_mem>>)
      %dma_wait3A_41 = tpu.memref_slice %arg4[%add3A_33] : memref<320000xi32, #tpu.memory_space<hbm>> -> memref<16xi32, #tpu.memory_space<hbm>>
      %dma_wait3A_42 = tpu.memref_slice %arg4[%add3A_33] : memref<320000xi32, #tpu.memory_space<hbm>> -> memref<16xi32, #tpu.memory_space<hbm>>
      tpu.wait_dma2 semaphore(%run_scoped3A : memref<!tpu.dma_semaphore, #tpu.memory_space<semaphore_mem>>) src(%dma_wait3A_42 : memref<16xi32, #tpu.memory_space<hbm>>) dst(%arg22 : memref<16xi32, #tpu.memory_space<vmem>>)
      tpu.yield
    }) : () -> ()
    "tpu.region"() ({
      %run_scoped3A = tpu.sem_alloc : memref<!tpu.dma_semaphore, #tpu.memory_space<semaphore_mem>>
      %dma_start3A_39 = arith.constant 0 : i32
      %dma_start3A_40 = tpu.memref_slice %arg9[%dma_start3A_39] : memref<10000xi32, #tpu.memory_space<vmem_shared>> -> memref<10000xi32, #tpu.memory_space<vmem_shared>>
      tpu.enqueue_indirect_dma source(%dma_start3A_40 : memref<10000xi32, #tpu.memory_space<vmem_shared>>) target(%arg23 : memref<16xi32, #tpu.memory_space<vmem>>) offsets(%arg21 : memref<16xi32, #tpu.memory_space<vmem>>) semaphore(%run_scoped3A : memref<!tpu.dma_semaphore, #tpu.memory_space<semaphore_mem>>)
      %dma_wait3A_41 = arith.constant 0 : i32
      %dma_wait3A_42 = tpu.memref_slice %arg9[%dma_wait3A_41] : memref<10000xi32, #tpu.memory_space<vmem_shared>> -> memref<10000xi32, #tpu.memory_space<vmem_shared>>
      tpu.wait_indirect_dma semaphore(%run_scoped3A : memref<!tpu.dma_semaphore, #tpu.memory_space<semaphore_mem>>) src(%dma_wait3A_42 : memref<10000xi32, #tpu.memory_space<vmem_shared>>) dst(%arg23 : memref<16xi32, #tpu.memory_space<vmem>>)
      tpu.yield
    }) : () -> ()
    "tpu.region"() ({
      %run_scoped3A = tpu.sem_alloc : memref<!tpu.dma_semaphore, #tpu.memory_space<semaphore_mem>>
      %dma_start3A_39 = arith.constant 0 : i32
      %dma_start3A_40 = arith.constant 0 : i32
      %dma_start3A_41 = tpu.memref_slice %arg5[%dma_start3A_39, %dma_start3A_40] : memref<512x128xf32, #tpu.memory_space<hbm>> -> memref<512x128xf32, #tpu.memory_space<hbm>>
      tpu.enqueue_indirect_dma source(%dma_start3A_41 : memref<512x128xf32, #tpu.memory_space<hbm>>) target(%arg24 : memref<16x128xf32, #tpu.memory_space<vmem>>) offsets(%arg23 : memref<16xi32, #tpu.memory_space<vmem>>) semaphore(%run_scoped3A : memref<!tpu.dma_semaphore, #tpu.memory_space<semaphore_mem>>)
      %dma_wait3A_42 = arith.constant 0 : i32
      %dma_wait3A_43 = arith.constant 0 : i32
      %dma_wait3A_44 = tpu.memref_slice %arg5[%dma_wait3A_42, %dma_wait3A_43] : memref<512x128xf32, #tpu.memory_space<hbm>> -> memref<512x128xf32, #tpu.memory_space<hbm>>
      tpu.wait_indirect_dma semaphore(%run_scoped3A : memref<!tpu.dma_semaphore, #tpu.memory_space<semaphore_mem>>) src(%dma_wait3A_44 : memref<512x128xf32, #tpu.memory_space<hbm>>) dst(%arg24 : memref<16x128xf32, #tpu.memory_space<vmem>>)
      tpu.yield
    }) : () -> ()
    "tpu.region"() ({
      %run_scoped3A = tpu.sem_alloc : memref<!tpu.dma_semaphore, #tpu.memory_space<semaphore_mem>>
      %dma_start3A_39 = arith.constant 0 : i32
      %dma_start3A_40 = arith.constant 0 : i32
      %dma_start3A_41 = tpu.memref_slice %arg8[%dma_start3A_39, %dma_start3A_40] : memref<10112x128xf32, #tpu.memory_space<vmem_shared>> -> memref<10112x128xf32, #tpu.memory_space<vmem_shared>>
      tpu.enqueue_indirect_dma source(%arg24 : memref<16x128xf32, #tpu.memory_space<vmem>>) target(%dma_start3A_41 : memref<10112x128xf32, #tpu.memory_space<vmem_shared>>) offsets(%arg22 : memref<16xi32, #tpu.memory_space<vmem>>) semaphore(%run_scoped3A : memref<!tpu.dma_semaphore, #tpu.memory_space<semaphore_mem>>) {add = true}
      %dma_wait3A_42 = arith.constant 0 : i32
      %dma_wait3A_43 = arith.constant 0 : i32
      %dma_wait3A_44 = tpu.memref_slice %arg8[%dma_wait3A_42, %dma_wait3A_43] : memref<10112x128xf32, #tpu.memory_space<vmem_shared>> -> memref<10112x128xf32, #tpu.memory_space<vmem_shared>>
      tpu.wait_indirect_dma semaphore(%run_scoped3A : memref<!tpu.dma_semaphore, #tpu.memory_space<semaphore_mem>>) src(%arg24 : memref<16x128xf32, #tpu.memory_space<vmem>>) dst(%dma_wait3A_44 : memref<10112x128xf32, #tpu.memory_space<vmem_shared>>)
      tpu.yield
    }) : () -> ()
    %barrier3A_34 = arith.constant 0 : index
    tpu.barrier barrier_id(%barrier3A_34)
    %mul3A_35 = arith.constant 632 : i32
    %mul3A_36 = arith.muli %arg1, %mul3A_35 : i32
    %mul3A_37 = arith.constant 632 : i32
    %mul3A_38 = arith.muli %arg1, %mul3A_37 : i32
    "tpu.region"() ({
      %run_scoped3A = tpu.sem_alloc : memref<!tpu.dma_semaphore, #tpu.memory_space<semaphore_mem>>
      %dma_start3A_39 = arith.constant 0 : i32
      %dma_start3A_40 = tpu.memref_slice %arg7[%arg0, %mul3A_38, %dma_start3A_39] : memref<2x10112x128xf32, #tpu.memory_space<hbm>> -> memref<1x632x128xf32, #tpu.memory_space<hbm>>
      %dma_start3A_41 = tpu.memref_squeeze %dma_start3A_40 : memref<1x632x128xf32, #tpu.memory_space<hbm>> -> memref<632x128xf32, #tpu.memory_space<hbm>>
      %dma_start3A_42 = arith.constant 0 : i32
      %dma_start3A_43 = tpu.memref_slice %arg8[%mul3A_36, %dma_start3A_42] : memref<10112x128xf32, #tpu.memory_space<vmem_shared>> -> memref<632x128xf32, #tpu.memory_space<vmem_shared>>
      tpu.enqueue_dma source(%dma_start3A_43 : memref<632x128xf32, #tpu.memory_space<vmem_shared>>) target(%dma_start3A_41 : memref<632x128xf32, #tpu.memory_space<hbm>>) target_semaphore(%run_scoped3A : memref<!tpu.dma_semaphore, #tpu.memory_space<semaphore_mem>>)
      %dma_wait3A_44 = arith.constant 0 : i32
      %dma_wait3A_45 = tpu.memref_slice %arg7[%arg0, %mul3A_38, %dma_wait3A_44] : memref<2x10112x128xf32, #tpu.memory_space<hbm>> -> memref<1x632x128xf32, #tpu.memory_space<hbm>>
      %dma_wait3A_46 = tpu.memref_squeeze %dma_wait3A_45 : memref<1x632x128xf32, #tpu.memory_space<hbm>> -> memref<632x128xf32, #tpu.memory_space<hbm>>
      %dma_wait3A_47 = arith.constant 0 : i32
      %dma_wait3A_48 = tpu.memref_slice %arg8[%mul3A_36, %dma_wait3A_47] : memref<10112x128xf32, #tpu.memory_space<vmem_shared>> -> memref<632x128xf32, #tpu.memory_space<vmem_shared>>
      tpu.wait_dma2 semaphore(%run_scoped3A : memref<!tpu.dma_semaphore, #tpu.memory_space<semaphore_mem>>) src(%dma_wait3A_48 : memref<632x128xf32, #tpu.memory_space<vmem_shared>>) dst(%dma_wait3A_46 : memref<632x128xf32, #tpu.memory_space<hbm>>)
      tpu.yield
    }) : () -> ()
    return
  }
}

module attributes {stable_mosaic.version = 14 : i64} {
  func.func @_tc_body(%arg0: memref<2x10112x128xf32, #tpu.memory_space<vmem>>, %arg1: memref<10000x1xi32, #tpu.memory_space<vmem>>, %arg2: memref<10000x1xi32, #tpu.memory_space<vmem>>, %arg3: memref<512x128xf32, #tpu.memory_space<vmem>>, %arg4: memref<384x128xf32, #tpu.memory_space<vmem>>, %arg5: memref<384x128xf32, #tpu.memory_space<vmem>>, %arg6: memref<128x128xf32, #tpu.memory_space<vmem>>, %arg7: memref<128x128xf32, #tpu.memory_space<vmem>>, %arg8: memref<1x128xf32, #tpu.memory_space<vmem>>, %arg9: memref<128x128xf32, #tpu.memory_space<vmem>>, %arg10: memref<1x128xf32, #tpu.memory_space<vmem>>, %arg11: memref<128x256xf32, #tpu.memory_space<vmem>>, %arg12: memref<256x512xf32, #tpu.memory_space<vmem>>, %arg13: memref<10000x128xf32, #tpu.memory_space<vmem>>, %arg14: memref<256x128xf32, #tpu.memory_space<vmem>>, %arg15: memref<256x128xf32, #tpu.memory_space<vmem>>, %arg16: memref<1x256xi32, #tpu.memory_space<vmem>>) attributes {dimension_semantics = [], scalar_prefetch = 0 : i64, scratch_operands = 4 : i64, tpu.core_type = #tpu.core_type<tc>} {
    %broadcast_in_dim3A = arith.constant -1 : i32
    %broadcast_in_dim3A_0 = vector.broadcast %broadcast_in_dim3A : i32 to vector<1x256xi32>
    %swap3A = arith.constant 0 : index
    %swap3A_1 = arith.constant 0 : index
    %swap3A_2 = vector.load %arg16[%swap3A, %swap3A_1] : memref<1x256xi32, #tpu.memory_space<vmem>>, vector<1x256xi32>
    tpu.vector_store %arg16[%swap3A, %swap3A_1], %broadcast_in_dim3A_0 {strides = array<i32>} : memref<1x256xi32, #tpu.memory_space<vmem>>, vector<1x256xi32>,
    %broadcast_in_dim3A_3 = arith.constant 0.000000e+00 : f32
    %broadcast_in_dim3A_4 = vector.broadcast %broadcast_in_dim3A_3 : f32 to vector<256x128xf32>
    %swap3A_5 = arith.constant 0 : index
    %swap3A_6 = arith.constant 0 : index
    %swap3A_7 = vector.load %arg14[%swap3A_5, %swap3A_6] : memref<256x128xf32, #tpu.memory_space<vmem>>, vector<256x128xf32>
    tpu.vector_store %arg14[%swap3A_5, %swap3A_6], %broadcast_in_dim3A_4 {strides = array<i32>} : memref<256x128xf32, #tpu.memory_space<vmem>>, vector<256x128xf32>,
    %broadcast_in_dim3A_8 = arith.constant 0.000000e+00 : f32
    %broadcast_in_dim3A_9 = vector.broadcast %broadcast_in_dim3A_8 : f32 to vector<256x128xf32>
    %swap3A_10 = arith.constant 0 : index
    %swap3A_11 = arith.constant 0 : index
    %swap3A_12 = vector.load %arg15[%swap3A_10, %swap3A_11] : memref<256x128xf32, #tpu.memory_space<vmem>>, vector<256x128xf32>
    tpu.vector_store %arg15[%swap3A_10, %swap3A_11], %broadcast_in_dim3A_9 {strides = array<i32>} : memref<256x128xf32, #tpu.memory_space<vmem>>, vector<256x128xf32>,
    %scan3A = arith.constant 0 : i32
    %scan3A_13 = arith.constant 10 : i32
    %scan3A_14 = arith.addi %scan3A, %scan3A_13 : i32
    %scan3A_15 = arith.constant 1 : i32
    scf.for %scan3A_49 = %scan3A to %scan3A_14 step %scan3A_15  : i32 {
      %mul3A = arith.constant 1000 : i32
      %mul3A_50 = arith.muli %scan3A_49, %mul3A : i32
      %get3A_51 = arith.index_cast %mul3A_50 : i32 to index
      %get3A_52 = arith.constant 0 : index
      %get3A_53 = vector.load %arg1[%get3A_51, %get3A_52] : memref<10000x1xi32, #tpu.memory_space<vmem>>, vector<1000x1xi32>
      %iota3A = tpu.iota {dimensions = array<i32: 1>} : vector<1000x512xi32>
      %eq3A = vector.broadcast %get3A_53 : vector<1000x1xi32> to vector<1000x512xi32>
      %eq3A_54 = arith.cmpi eq, %eq3A, %iota3A : vector<1000x512xi32>
      %convert_element_type3A = arith.extui %eq3A_54 : vector<1000x512xi1> to vector<1000x512xi32>
      %convert_element_type3A_55 = arith.sitofp %convert_element_type3A : vector<1000x512xi32> to vector<1000x512xf32>
      %get3A_56 = arith.constant 0 : index
      %get3A_57 = arith.constant 0 : index
      %get3A_58 = vector.load %arg3[%get3A_56, %get3A_57] : memref<512x128xf32, #tpu.memory_space<vmem>>, vector<512x128xf32>
      %dot_general3A_59 = arith.constant dense<0.000000e+00> : vector<1000x128xf32>
      %dot_general3A_60 = tpu.matmul %convert_element_type3A_55, %get3A_58, %dot_general3A_59 {dimension_numbers = #tpu.dot_dimension_numbers<[1], [0], [0], [1], [0, 0, 1, 1], [], []>, transpose_lhs_hint = false} : vector<1000x512xf32>, vector<512x128xf32>, vector<1000x128xf32> -> vector<1000x128xf32>
      %get3A_61 = arith.constant 0 : index
      %get3A_62 = arith.index_cast %mul3A_50 : i32 to index
      %get3A_63 = arith.constant 0 : index
      %get3A_64 = vector.load %arg0[%get3A_61, %get3A_62, %get3A_63] : memref<2x10112x128xf32, #tpu.memory_space<vmem>>, vector<1x1000x128xf32>
      %get3A_65 = vector.shape_cast %get3A_64 : vector<1x1000x128xf32> to vector<1000x128xf32>
      %get3A_66 = arith.constant 1 : index
      %get3A_67 = arith.index_cast %mul3A_50 : i32 to index
      %get3A_68 = arith.constant 0 : index
      %get3A_69 = vector.load %arg0[%get3A_66, %get3A_67, %get3A_68] : memref<2x10112x128xf32, #tpu.memory_space<vmem>>, vector<1x1000x128xf32>
      %get3A_70 = vector.shape_cast %get3A_69 : vector<1x1000x128xf32> to vector<1000x128xf32>
      %add3A = arith.addf %get3A_65, %get3A_70 : vector<1000x128xf32>
      %get3A_71 = arith.constant 0 : index
      %get3A_72 = arith.constant 0 : index
      %get3A_73 = vector.load %arg4[%get3A_71, %get3A_72] : memref<384x128xf32, #tpu.memory_space<vmem>>, vector<384x128xf32>
      %dot_general3A_74 = arith.constant dense<0.000000e+00> : vector<1000x384xf32>
      %dot_general3A_75 = tpu.matmul %add3A, %get3A_73, %dot_general3A_74 {dimension_numbers = #tpu.dot_dimension_numbers<[1], [1], [0], [0], [0, 0, 1, 0], [], []>, transpose_lhs_hint = false} : vector<1000x128xf32>, vector<384x128xf32>, vector<1000x384xf32> -> vector<1000x384xf32>
      %get3A_76 = arith.constant 0 : index
      %get3A_77 = arith.constant 0 : index
      %get3A_78 = vector.load %arg5[%get3A_76, %get3A_77] : memref<384x128xf32, #tpu.memory_space<vmem>>, vector<384x128xf32>
      %dot_general3A_79 = arith.constant dense<0.000000e+00> : vector<1000x384xf32>
      %dot_general3A_80 = tpu.matmul %dot_general3A_60, %get3A_78, %dot_general3A_79 {dimension_numbers = #tpu.dot_dimension_numbers<[1], [1], [0], [0], [0, 0, 1, 0], [], []>, transpose_lhs_hint = false} : vector<1000x128xf32>, vector<384x128xf32>, vector<1000x384xf32> -> vector<1000x384xf32>
      %slice3A = vector.extract_strided_slice %dot_general3A_75 {offsets = [0, 0], sizes = [1000, 128], strides = [1, 1]} : vector<1000x384xf32> to vector<1000x128xf32>
      %slice3A_81 = vector.extract_strided_slice %dot_general3A_80 {offsets = [0, 0], sizes = [1000, 128], strides = [1, 1]} : vector<1000x384xf32> to vector<1000x128xf32>
      %add3A_82 = arith.addf %slice3A, %slice3A_81 : vector<1000x128xf32>
      %logistic3A = arith.negf %add3A_82 : vector<1000x128xf32>
      %logistic3A_83 = math.exp %logistic3A : vector<1000x128xf32>
      %logistic3A_84 = arith.constant 1.000000e+00 : f32
      %logistic3A_85 = vector.broadcast %logistic3A_84 : f32 to vector<1000x128xf32>
      %logistic3A_86 = arith.addf %logistic3A_85, %logistic3A_83 : vector<1000x128xf32>
      %logistic3A_87 = arith.divf %logistic3A_85, %logistic3A_86 : vector<1000x128xf32>
      %slice3A_88 = vector.extract_strided_slice %dot_general3A_75 {offsets = [0, 128], sizes = [1000, 128], strides = [1, 1]} : vector<1000x384xf32> to vector<1000x128xf32>
      %slice3A_89 = vector.extract_strided_slice %dot_general3A_80 {offsets = [0, 128], sizes = [1000, 128], strides = [1, 1]} : vector<1000x384xf32> to vector<1000x128xf32>
      %add3A_90 = arith.addf %slice3A_88, %slice3A_89 : vector<1000x128xf32>
      %logistic3A_91 = arith.negf %add3A_90 : vector<1000x128xf32>
      %logistic3A_92 = math.exp %logistic3A_91 : vector<1000x128xf32>
      %logistic3A_93 = arith.constant 1.000000e+00 : f32
      %logistic3A_94 = vector.broadcast %logistic3A_93 : f32 to vector<1000x128xf32>
      %logistic3A_95 = arith.addf %logistic3A_94, %logistic3A_92 : vector<1000x128xf32>
      %logistic3A_96 = arith.divf %logistic3A_94, %logistic3A_95 : vector<1000x128xf32>
      %slice3A_97 = vector.extract_strided_slice %dot_general3A_75 {offsets = [0, 256], sizes = [1000, 128], strides = [1, 1]} : vector<1000x384xf32> to vector<1000x128xf32>
      %slice3A_98 = vector.extract_strided_slice %dot_general3A_80 {offsets = [0, 256], sizes = [1000, 128], strides = [1, 1]} : vector<1000x384xf32> to vector<1000x128xf32>
      %mul3A_99 = arith.mulf %logistic3A_87, %slice3A_98 : vector<1000x128xf32>
      %add3A_100 = arith.addf %slice3A_97, %mul3A_99 : vector<1000x128xf32>
      %tanh3A = math.tanh %add3A_100 : vector<1000x128xf32>
      %sub3A = arith.constant 1.000000e+00 : f32
      %sub3A_101 = vector.broadcast %sub3A : f32 to vector<1000x128xf32>
      %sub3A_102 = arith.subf %sub3A_101, %logistic3A_96 : vector<1000x128xf32>
      %mul3A_103 = arith.mulf %sub3A_102, %tanh3A : vector<1000x128xf32>
      %mul3A_104 = arith.mulf %logistic3A_96, %dot_general3A_60 : vector<1000x128xf32>
      %add3A_105 = arith.addf %mul3A_103, %mul3A_104 : vector<1000x128xf32>
      %swap3A_106 = arith.index_cast %mul3A_50 : i32 to index
      %swap3A_107 = arith.constant 0 : index
      %swap3A_108 = vector.load %arg13[%swap3A_106, %swap3A_107] : memref<10000x128xf32, #tpu.memory_space<vmem>>, vector<1000x128xf32>
      tpu.vector_store %arg13[%swap3A_106, %swap3A_107], %add3A_105 {strides = array<i32>} : memref<10000x128xf32, #tpu.memory_space<vmem>>, vector<1000x128xf32>,
      %get3A_109 = arith.index_cast %mul3A_50 : i32 to index
      %get3A_110 = arith.constant 0 : index
      %get3A_111 = vector.load %arg2[%get3A_109, %get3A_110] : memref<10000x1xi32, #tpu.memory_space<vmem>>, vector<1000x1xi32>
      %iota3A_112 = tpu.iota {dimensions = array<i32: 1>} : vector<1000x256xi32>
      %eq3A_113 = vector.broadcast %get3A_111 : vector<1000x1xi32> to vector<1000x256xi32>
      %eq3A_114 = arith.cmpi eq, %eq3A_113, %iota3A_112 : vector<1000x256xi32>
      %iota3A_115 = tpu.iota {dimensions = array<i32: 0>} : vector<1000x1xi32>
      %mul3A_116 = arith.constant 1000 : i32
      %mul3A_117 = arith.muli %scan3A_49, %mul3A_116 : i32
      %add3A_118 = vector.broadcast %mul3A_117 : i32 to vector<1000x1xi32>
      %add3A_119 = arith.addi %iota3A_115, %add3A_118 : vector<1000x1xi32>
      %get3A_120 = arith.constant 0 : index
      %get3A_121 = arith.constant 0 : index
      %get3A_122 = vector.load %arg16[%get3A_120, %get3A_121] : memref<1x256xi32, #tpu.memory_space<vmem>>, vector<1x256xi32>
      %jit3A = arith.constant -1 : i32
      %broadcast_in_dim3A_123 = vector.shape_cast %add3A_119 : vector<1000x1xi32> to vector<1000x1xi32>
      %broadcast_in_dim3A_124 = vector.broadcast %broadcast_in_dim3A_123 : vector<1000x1xi32> to vector<1000x256xi32>
      %broadcast_in_dim3A_125 = vector.broadcast %jit3A : i32 to vector<1000x256xi32>
      %select_n3A = arith.select %eq3A_114, %broadcast_in_dim3A_124, %broadcast_in_dim3A_125 : vector<1000x256xi1>, vector<1000x256xi32>
      %reduce_max3A = arith.constant dense<-2147483648> : vector<256xi32>
      %reduce_max3A_126 = vector.multi_reduction <maxsi>, %select_n3A, %reduce_max3A [0] : vector<1000x256xi32> to vector<256xi32>
      %broadcast_in_dim3A_127 = vector.shape_cast %reduce_max3A_126 : vector<256xi32> to vector<1x256xi32>
      %max3A_128 = arith.maxsi %get3A_122, %broadcast_in_dim3A_127 : vector<1x256xi32>
      %swap3A_129 = arith.constant 0 : index
      %swap3A_130 = arith.constant 0 : index
      %swap3A_131 = vector.load %arg16[%swap3A_129, %swap3A_130] : memref<1x256xi32, #tpu.memory_space<vmem>>, vector<1x256xi32>
      tpu.vector_store %arg16[%swap3A_129, %swap3A_130], %max3A_128 {strides = array<i32>} : memref<1x256xi32, #tpu.memory_space<vmem>>, vector<1x256xi32>,
    }
    %scan3A_16 = arith.constant 10 : i32
    %get3A = arith.constant 0 : index
    %get3A_17 = arith.constant 0 : index
    %get3A_18 = vector.load %arg16[%get3A, %get3A_17] : memref<1x256xi32, #tpu.memory_space<vmem>>, vector<1x256xi32>
    %max3A = arith.constant 0 : i32
    %max3A_19 = vector.broadcast %max3A : i32 to vector<1x256xi32>
    %max3A_20 = arith.maxsi %get3A_18, %max3A_19 : vector<1x256xi32>
    %scan3A_21 = arith.constant 0 : i32
    %scan3A_22 = arith.constant 10 : i32
    %scan3A_23 = arith.addi %scan3A_21, %scan3A_22 : i32
    %scan3A_24 = arith.constant 1 : i32
    scf.for %scan3A_49 = %scan3A_21 to %scan3A_23 step %scan3A_24  : i32 {
      %mul3A = arith.constant 1000 : i32
      %mul3A_50 = arith.muli %scan3A_49, %mul3A : i32
      %iota3A = tpu.iota {dimensions = array<i32: 0>} : vector<1000x1xi32>
      %mul3A_51 = arith.constant 1000 : i32
      %mul3A_52 = arith.muli %scan3A_49, %mul3A_51 : i32
      %add3A = vector.broadcast %mul3A_52 : i32 to vector<1000x1xi32>
      %add3A_53 = arith.addi %iota3A, %add3A : vector<1000x1xi32>
      %eq3A = vector.broadcast %add3A_53 : vector<1000x1xi32> to vector<1000x256xi32>
      %eq3A_54 = vector.broadcast %max3A_20 : vector<1x256xi32> to vector<1000x256xi32>
      %eq3A_55 = arith.cmpi eq, %eq3A, %eq3A_54 : vector<1000x256xi32>
      %convert_element_type3A = arith.extui %eq3A_55 : vector<1000x256xi1> to vector<1000x256xi32>
      %convert_element_type3A_56 = arith.sitofp %convert_element_type3A : vector<1000x256xi32> to vector<1000x256xf32>
      %get3A_57 = arith.constant 0 : index
      %get3A_58 = arith.constant 0 : index
      %get3A_59 = vector.load %arg14[%get3A_57, %get3A_58] : memref<256x128xf32, #tpu.memory_space<vmem>>, vector<256x128xf32>
      %get3A_60 = arith.index_cast %mul3A_50 : i32 to index
      %get3A_61 = arith.constant 0 : index
      %get3A_62 = vector.load %arg13[%get3A_60, %get3A_61] : memref<10000x128xf32, #tpu.memory_space<vmem>>, vector<1000x128xf32>
      %dot_general3A_63 = arith.constant dense<0.000000e+00> : vector<256x128xf32>
      %dot_general3A_64 = tpu.matmul %convert_element_type3A_56, %get3A_62, %dot_general3A_63 {dimension_numbers = #tpu.dot_dimension_numbers<[0], [0], [1], [1], [0, 1, 1, 1], [], []>, transpose_lhs_hint = false} : vector<1000x256xf32>, vector<1000x128xf32>, vector<256x128xf32> -> vector<256x128xf32>
      %add3A_65 = arith.addf %get3A_59, %dot_general3A_64 : vector<256x128xf32>
      %swap3A_66 = arith.constant 0 : index
      %swap3A_67 = arith.constant 0 : index
      %swap3A_68 = vector.load %arg14[%swap3A_66, %swap3A_67] : memref<256x128xf32, #tpu.memory_space<vmem>>, vector<256x128xf32>
      tpu.vector_store %arg14[%swap3A_66, %swap3A_67], %add3A_65 {strides = array<i32>} : memref<256x128xf32, #tpu.memory_space<vmem>>, vector<256x128xf32>,
    }
    %scan3A_25 = arith.constant 10 : i32
    %scan3A_26 = arith.constant 0 : i32
    %scan3A_27 = arith.constant 10 : i32
    %scan3A_28 = arith.addi %scan3A_26, %scan3A_27 : i32
    %scan3A_29 = arith.constant 1 : i32
    scf.for %scan3A_49 = %scan3A_26 to %scan3A_28 step %scan3A_29  : i32 {
      %mul3A = arith.constant 1000 : i32
      %mul3A_50 = arith.muli %scan3A_49, %mul3A : i32
      %get3A_51 = arith.index_cast %mul3A_50 : i32 to index
      %get3A_52 = arith.constant 0 : index
      %get3A_53 = vector.load %arg2[%get3A_51, %get3A_52] : memref<10000x1xi32, #tpu.memory_space<vmem>>, vector<1000x1xi32>
      %iota3A = tpu.iota {dimensions = array<i32: 1>} : vector<1000x256xi32>
      %eq3A = vector.broadcast %get3A_53 : vector<1000x1xi32> to vector<1000x256xi32>
      %eq3A_54 = arith.cmpi eq, %eq3A, %iota3A : vector<1000x256xi32>
      %convert_element_type3A = arith.extui %eq3A_54 : vector<1000x256xi1> to vector<1000x256xi32>
      %convert_element_type3A_55 = arith.sitofp %convert_element_type3A : vector<1000x256xi32> to vector<1000x256xf32>
      %get3A_56 = arith.index_cast %mul3A_50 : i32 to index
      %get3A_57 = arith.constant 0 : index
      %get3A_58 = vector.load %arg13[%get3A_56, %get3A_57] : memref<10000x128xf32, #tpu.memory_space<vmem>>, vector<1000x128xf32>
      %get3A_59 = arith.constant 0 : index
      %get3A_60 = arith.constant 0 : index
      %get3A_61 = vector.load %arg14[%get3A_59, %get3A_60] : memref<256x128xf32, #tpu.memory_space<vmem>>, vector<256x128xf32>
      %dot_general3A_62 = arith.constant dense<0.000000e+00> : vector<1000x128xf32>
      %dot_general3A_63 = tpu.matmul %convert_element_type3A_55, %get3A_61, %dot_general3A_62 {dimension_numbers = #tpu.dot_dimension_numbers<[1], [0], [0], [1], [0, 0, 1, 1], [], []>, transpose_lhs_hint = false} : vector<1000x256xf32>, vector<256x128xf32>, vector<1000x128xf32> -> vector<1000x128xf32>
      %get3A_64 = arith.constant 0 : index
      %get3A_65 = arith.constant 0 : index
      %get3A_66 = vector.load %arg6[%get3A_64, %get3A_65] : memref<128x128xf32, #tpu.memory_space<vmem>>, vector<128x128xf32>
      %dot_general3A_67 = arith.constant dense<0.000000e+00> : vector<1000x128xf32>
      %dot_general3A_68 = tpu.matmul %dot_general3A_63, %get3A_66, %dot_general3A_67 {dimension_numbers = #tpu.dot_dimension_numbers<[1], [1], [0], [0], [0, 0, 1, 0], [], []>, transpose_lhs_hint = false} : vector<1000x128xf32>, vector<128x128xf32>, vector<1000x128xf32> -> vector<1000x128xf32>
      %get3A_69 = arith.constant 0 : index
      %get3A_70 = arith.constant 0 : index
      %get3A_71 = vector.load %arg7[%get3A_69, %get3A_70] : memref<128x128xf32, #tpu.memory_space<vmem>>, vector<128x128xf32>
      %dot_general3A_72 = arith.constant dense<0.000000e+00> : vector<1000x128xf32>
      %dot_general3A_73 = tpu.matmul %get3A_58, %get3A_71, %dot_general3A_72 {dimension_numbers = #tpu.dot_dimension_numbers<[1], [1], [0], [0], [0, 0, 1, 0], [], []>, transpose_lhs_hint = false} : vector<1000x128xf32>, vector<128x128xf32>, vector<1000x128xf32> -> vector<1000x128xf32>
      %get3A_74 = arith.constant 0 : index
      %get3A_75 = arith.constant 0 : index
      %get3A_76 = vector.load %arg8[%get3A_74, %get3A_75] : memref<1x128xf32, #tpu.memory_space<vmem>>, vector<1x128xf32>
      %add3A = vector.broadcast %get3A_76 : vector<1x128xf32> to vector<1000x128xf32>
      %add3A_77 = arith.addf %dot_general3A_73, %add3A : vector<1000x128xf32>
      %add3A_78 = arith.addf %dot_general3A_68, %add3A_77 : vector<1000x128xf32>
      %logistic3A = arith.negf %add3A_78 : vector<1000x128xf32>
      %logistic3A_79 = math.exp %logistic3A : vector<1000x128xf32>
      %logistic3A_80 = arith.constant 1.000000e+00 : f32
      %logistic3A_81 = vector.broadcast %logistic3A_80 : f32 to vector<1000x128xf32>
      %logistic3A_82 = arith.addf %logistic3A_81, %logistic3A_79 : vector<1000x128xf32>
      %logistic3A_83 = arith.divf %logistic3A_81, %logistic3A_82 : vector<1000x128xf32>
      %get3A_84 = arith.constant 0 : index
      %get3A_85 = arith.constant 0 : index
      %get3A_86 = vector.load %arg9[%get3A_84, %get3A_85] : memref<128x128xf32, #tpu.memory_space<vmem>>, vector<128x128xf32>
      %dot_general3A_87 = arith.constant dense<0.000000e+00> : vector<1000x128xf32>
      %dot_general3A_88 = tpu.matmul %logistic3A_83, %get3A_86, %dot_general3A_87 {dimension_numbers = #tpu.dot_dimension_numbers<[1], [1], [0], [0], [0, 0, 1, 0], [], []>, transpose_lhs_hint = false} : vector<1000x128xf32>, vector<128x128xf32>, vector<1000x128xf32> -> vector<1000x128xf32>
      %get3A_89 = arith.constant 0 : index
      %get3A_90 = arith.constant 0 : index
      %get3A_91 = vector.load %arg10[%get3A_89, %get3A_90] : memref<1x128xf32, #tpu.memory_space<vmem>>, vector<1x128xf32>
      %add3A_92 = vector.broadcast %get3A_91 : vector<1x128xf32> to vector<1000x128xf32>
      %add3A_93 = arith.addf %dot_general3A_88, %add3A_92 : vector<1000x128xf32>
      %mul3A_94 = arith.mulf %add3A_93, %get3A_58 : vector<1000x128xf32>
      %get3A_95 = arith.constant 0 : index
      %get3A_96 = arith.constant 0 : index
      %get3A_97 = vector.load %arg15[%get3A_95, %get3A_96] : memref<256x128xf32, #tpu.memory_space<vmem>>, vector<256x128xf32>
      %dot_general3A_98 = arith.constant dense<0.000000e+00> : vector<256x128xf32>
      %dot_general3A_99 = tpu.matmul %convert_element_type3A_55, %mul3A_94, %dot_general3A_98 {dimension_numbers = #tpu.dot_dimension_numbers<[0], [0], [1], [1], [0, 1, 1, 1], [], []>, transpose_lhs_hint = false} : vector<1000x256xf32>, vector<1000x128xf32>, vector<256x128xf32> -> vector<256x128xf32>
      %add3A_100 = arith.addf %get3A_97, %dot_general3A_99 : vector<256x128xf32>
      %swap3A_101 = arith.constant 0 : index
      %swap3A_102 = arith.constant 0 : index
      %swap3A_103 = vector.load %arg15[%swap3A_101, %swap3A_102] : memref<256x128xf32, #tpu.memory_space<vmem>>, vector<256x128xf32>
      tpu.vector_store %arg15[%swap3A_101, %swap3A_102], %add3A_100 {strides = array<i32>} : memref<256x128xf32, #tpu.memory_space<vmem>>, vector<256x128xf32>,
    }
    %scan3A_30 = arith.constant 10 : i32
    %get3A_31 = arith.constant 0 : index
    %get3A_32 = arith.constant 0 : index
    %get3A_33 = vector.load %arg14[%get3A_31, %get3A_32] : memref<256x128xf32, #tpu.memory_space<vmem>>, vector<256x128xf32>
    %get3A_34 = arith.constant 0 : index
    %get3A_35 = arith.constant 0 : index
    %get3A_36 = vector.load %arg15[%get3A_34, %get3A_35] : memref<256x128xf32, #tpu.memory_space<vmem>>, vector<256x128xf32>
    %concatenate3A = tpu.concatenate %get3A_33, %get3A_36 in 1 : vector<256x128xf32>, vector<256x128xf32> -> vector<256x256xf32>
    %get3A_37 = arith.constant 0 : index
    %get3A_38 = arith.constant 0 : index
    %get3A_39 = vector.load %arg11[%get3A_37, %get3A_38] : memref<128x256xf32, #tpu.memory_space<vmem>>, vector<128x256xf32>
    %dot_general3A = arith.constant dense<0.000000e+00> : vector<256x128xf32>
    %dot_general3A_40 = tpu.matmul %concatenate3A, %get3A_39, %dot_general3A {dimension_numbers = #tpu.dot_dimension_numbers<[1], [1], [0], [0], [0, 0, 1, 0], [], []>, transpose_lhs_hint = false} : vector<256x256xf32>, vector<128x256xf32>, vector<256x128xf32> -> vector<256x128xf32>
    %get3A_41 = arith.constant 0 : index
    %get3A_42 = arith.constant 0 : index
    %get3A_43 = vector.load %arg3[%get3A_41, %get3A_42] : memref<512x128xf32, #tpu.memory_space<vmem>>, vector<512x128xf32>
    %dot_general3A_44 = arith.constant dense<0.000000e+00> : vector<256x512xf32>
    %dot_general3A_45 = tpu.matmul %dot_general3A_40, %get3A_43, %dot_general3A_44 {dimension_numbers = #tpu.dot_dimension_numbers<[1], [1], [0], [0], [0, 0, 1, 0], [], []>, transpose_lhs_hint = false} : vector<256x128xf32>, vector<512x128xf32>, vector<256x512xf32> -> vector<256x512xf32>
    %swap3A_46 = arith.constant 0 : index
    %swap3A_47 = arith.constant 0 : index
    %swap3A_48 = vector.load %arg12[%swap3A_46, %swap3A_47] : memref<256x512xf32, #tpu.memory_space<vmem>>, vector<256x512xf32>
    tpu.vector_store %arg12[%swap3A_46, %swap3A_47], %dot_general3A_45 {strides = array<i32>} : memref<256x512xf32, #tpu.memory_space<vmem>>, vector<256x512xf32>,
    return
  }
}

</mosaic_0001>

<sc_bundles>
// kernel: kernel.4.cloned.1.call-start
scs
__scs_entry_jumppad:
0x0: {  	(pc) =	sbr.rel $0x88, $3  }
0x1: {  	(tag) =	ssettag $0x0;
	lr =	simm.s32 $0x1  }
0x2: {  	[smem:$0x3F95] =	sst lr;
	_ =	strace $0xD0000000  }
0x3: {  	_ = 	snop  }
0x4: {  	_ = 	snop  }
0x5: {  	_ = 	snop  }
0x6: {  	_ = 	snop  }
0x7: {  	_ = 	snop  }
__scs_overlays_trampoline_lowered:
0x8: {  	[smem:$0x3FA4] =	sst s0  }
0x9: {  	[smem:$0x3FA5] =	sst s1  }
0xa: {  	[smem:$0x3FA6] =	sst s2  }
0xb: {  	[smem:$0x3FA7] =	sst s3  }
0xc: {  	[smem:$0x3FA8] =	sst s4  }
0xd: {  	[smem:$0x3FA9] =	sst s5  }
0xe: {  	[smem:$0x3FAA] =	sst s6  }
0xf: {  	[smem:$0x3FAB] =	sst s7  }
0x10: {  	[smem:$0x3FAC] =	sst s8  }
0x11: {  	[smem:$0x3FAD] =	sst s9;
	s0 =	simm.s32 @!p0 $0x0  }
0x12: {  	s1 =	sld [smem:$0x3F93];
	s0 =	simm.s32 @p0 $0x1  }
0x13: {  	[smem:$0x3FAE] =	sst s0;
	s0 =	simm.s32 @!p1 $0x0  }
0x14: {  	s2 =	sld [smem:$0x3F92];
	s0 =	simm.s32 @p1 $0x1  }
0x15: {  	[smem:$0x3FAF] =	sst s0;
	s0 =	simm.s32 @!p2 $0x0  }
0x16: {  	s3 =	sld [smem:$0x3FDB];
	s0 =	simm.s32 @p2 $0x1  }
0x17: {  	s4 =	simm.s32 $0x1BF5;
	[smem:$0x3FB1] =	sst s0  }
0x18: {  	s0 =	sld [smem:$0x3F94];
	_ =	swait.ge [sflag:s4], $0x0  }
0x19: {  	s7 =	sld [smem:$0x3F95]  }
0x1a: {  	s8 =	sadd.s32 $0xFFFFE003, lr  }
0x1b: {  	s9 =	sadd.s32 $0xFFFFFEF7, lr;
	s5 =	simm.s32 $0xFFFFFFFF;
	p2 =	slt.u32 s8, $0xFFFFF086  }
0x1c: {  	p1 =	slt.u32 s9, $0xF7A;
	s5 =	simm.s32 @!p2 $0x0  }
0x1d: {  	s5 =	simm.s32 @p1 $0x1;
	p0 =	seq.s32 s7, s2  }
0x1e: {  	s7 =	smul.u32 @!p0 $0xF7A, s2;
	p2 =	seq.s32 @!p0 s5, $0x0  }
0x1f: {  	s9 =	smul.u32 $0xF7A, s1;
	s8 =	simm.s32 @!p0 $0x1BF5;
	p2 =	por !p2, p0  }
0x20: {  	[sflag:s8] =	ssyncset.s32 @!p0 $0xFFFFF086;
	s6 =	sadd.s32 @!p0 s3, s7;
	s7 =	simm.s32 @!p0 $0x108  }
0x21: {  	s3 =	sadd.s32 s3, s9;
	s6 =	sadd.s32 @!p0 $0x88, s6;
	s7 =	simm.s32 @p2 $0x1082  }
0x22: {  	[simem:s7], [sflag:s8] =	dma.local @!p0 [hbm:s6], $0xF7A  }
0x23: {  	s9 =	sor.u32 $0xD0000000, s2;
	s6 =	simm.s32 $0x108;
	_ =	swait.ge @!p0 [sflag:s8], $0x0  }
0x24: {  	s3 =	sadd.s32 $0x88, s3;
	s6 =	simm.s32 @!p1 $0x1082;
	[sflag:s4] =	ssyncset.s32 $0xFFFFF086  }
0x25: {  	[simem:s6], [sflag:s4] =	dma.local [hbm:s3], $0xF7A  }
0x26: {  	[smem:$0x3F95] =	sst s1;
	(tag) =	ssettag s2;
	_ =	strace s9  }
0x27: {  	s1 =	sld [smem:$0x3FA5]  }
0x28: {  	s2 =	sld [smem:$0x3FA6]  }
0x29: {  	s4 =	sld [smem:$0x3FA8]  }
0x2a: {  	p0 =	seq.s32 s5, $0x0;
	s5 =	sld [smem:$0x3FA9]  }
0x2b: {  	s6 =	sld [smem:$0x3FAA]  }
0x2c: {  	s7 =	sld [smem:$0x3FAB]  }
0x2d: {  	s3 =	simm.s32 $0x108;
	s8 =	sld [smem:$0x3FAC]  }
0x2e: {  	s3 =	simm.s32 @!p0 $0x1082;
	s9 =	sld [smem:$0x3FAD]  }
0x2f: {  	lr =	sadd.s32 s0, s3;
	s0 =	sld [smem:$0x3FA4]  }
0x30: {  	s3 =	sld [smem:$0x3FA7]  }
0x31: {  	[smem:$0x3FB0] =	sst s10  }
0x32: {  	s10 =	sld [smem:$0x3FAE];
	_ =	sdelay $0x3  }
0x33: {  	p0 =	seq.s32 s10, $0x1;
	s10 =	sld [smem:$0x3FB0];
	_ =	sdelay $0x3  }
0x34: {  	[smem:$0x3FB0] =	sst s10  }
0x35: {  	s10 =	sld [smem:$0x3FAF];
	_ =	sdelay $0x3  }
0x36: {  	p1 =	seq.s32 s10, $0x1;
	s10 =	sld [smem:$0x3FB0];
	_ =	sdelay $0x3  }
0x37: {  	[smem:$0x3FB0] =	sst s10  }
0x38: {  	s10 =	sld [smem:$0x3FB1]  }
0x39: {  	_ = 	snop;
	(pc) =	sbr.ind lr, $3  }
0x3a: {  	_ = 	snop  }
0x3b: {  	_ = 	snop  }
0x3c: {  	p2 =	seq.s32 s10, $0x1;
	s10 =	sld [smem:$0x3FB0]  }
0x3d: {  	_ =	shalt  }
0x3e: {  	_ =	shalt  }
0x3f: {  	_ =	shalt  }
0x40: {  	_ =	shalt  }
0x41: {  	_ =	shalt  }
0x42: {  	_ =	shalt  }
0x43: {  	_ =	shalt  }
0x44: {  	_ =	shalt  }
0x45: {  	_ =	shalt  }
0x46: {  	_ =	shalt  }
0x47: {  	_ =	shalt  }
0x48: {  	_ =	shalt  }
0x49: {  	_ =	shalt  }
0x4a: {  	_ =	shalt  }
0x4b: {  	_ =	shalt  }
0x4c: {  	_ =	shalt  }
0x4d: {  	_ =	shalt  }
0x4e: {  	_ =	shalt  }
0x4f: {  	_ =	shalt  }
0x50: {  	_ =	shalt  }
0x51: {  	_ =	shalt  }
0x52: {  	_ =	shalt  }
0x53: {  	_ =	shalt  }
0x54: {  	_ =	shalt  }
0x55: {  	_ =	shalt  }
0x56: {  	_ =	shalt  }
0x57: {  	_ =	shalt  }
0x58: {  	_ =	shalt  }
0x59: {  	_ =	shalt  }
0x5a: {  	_ =	shalt  }
0x5b: {  	_ =	shalt  }
0x5c: {  	_ =	shalt  }
0x5d: {  	_ =	shalt  }
0x5e: {  	_ =	shalt  }
0x5f: {  	_ =	shalt  }
0x60: {  	_ =	shalt  }
0x61: {  	_ =	shalt  }
0x62: {  	_ =	shalt  }
0x63: {  	_ =	shalt  }
0x64: {  	_ =	shalt  }
0x65: {  	_ =	shalt  }
0x66: {  	_ =	shalt  }
0x67: {  	_ =	shalt  }
0x68: {  	_ =	shalt  }
0x69: {  	_ =	shalt  }
0x6a: {  	_ =	shalt  }
0x6b: {  	_ =	shalt  }
0x6c: {  	_ =	shalt  }
0x6d: {  	_ =	shalt  }
0x6e: {  	_ =	shalt  }
0x6f: {  	_ =	shalt  }
0x70: {  	_ =	shalt  }
0x71: {  	_ =	shalt  }
0x72: {  	_ =	shalt  }
0x73: {  	_ =	shalt  }
0x74: {  	_ =	shalt  }
0x75: {  	_ =	shalt  }
0x76: {  	_ =	shalt  }
0x77: {  	_ =	shalt  }
0x78: {  	_ =	shalt  }
0x79: {  	_ =	shalt  }
0x7a: {  	_ =	shalt  }
0x7b: {  	_ =	shalt  }
0x7c: {  	_ =	shalt  }
0x7d: {  	_ =	shalt  }
0x7e: {  	_ =	shalt  }
0x7f: {  	_ =	shalt  }
0x80: {  	_ =	shalt  }
0x81: {  	_ =	shalt  }
0x82: {  	_ =	shalt  }
0x83: {  	_ =	shalt  }
0x84: {  	_ =	shalt  }
0x85: {  	_ =	shalt  }
0x86: {  	_ =	shalt  }
0x87: {  	_ =	shalt  }
.Lfunc_end0:
.L_simem_size_0:
called_computation_lowered:
.L_overlay_start_0:
0x88: {  	s2 =	sld [smem:$0x3FD9]  }
0x89: {  	s3 =	sld [smem:$0x3FFE];
	_ =	sdelay $0x1  }
0x8a: {  	s1 =	srdreg.scid  }
0x8b: {  	s0 =	sand.u32 $0x1, s1  }
0x8c: {  	s17 =	sshll.u32 s0, $0xA;
	s2 =	sadd.s32 s3, s2  }
0x8d: {  	s2 =	sadd.s32 s2, s17  }
0x8e: {  	[smem:$0x3FBC] =	sst s2  }
0x8f: {  	_ = 	snop  }
0x90: {  	s2 =	sld [smem:$0x3FC6]  }
0x91: {  	s18 =	sld [smem:$0x3FD0];
	(tm) =	ssettm $0x1  }
0x92: {  	s4 =	sld [smem:$0x3FFB];
	_ =	sdelay $0x3  }
0x93: {  	_ =	strace s4  }
0x94: {  	s4 =	sld [smem:$0x3FFC];
	_ =	sdelay $0x3  }
0x95: {  	_ =	strace s4  }
0x96: {  	s4 =	sld [smem:$0x3FFD];
	_ =	sdelay $0x3  }
0x97: {  	_ =	strace s4  }
0x98: {  	_ =	strace $0x8FFFFFFF  }
0x99: {  	s19 =	sld [smem:$0x3FDB];
	_ =	sdelay $0x1  }
0x9a: {  	s5 =	simm.s32 $_scs_section_size  }
0x9b: {  	s6 =	simm.s32 $_size__tile_overlayer_lowered;
	s7 =	simm.s32 $_tile_overlayer_lowered  }
0x9c: {  	s22 =	simm.s32 $0x1BFF;
	s21 =	sshll.u32 s7, $0x1;
	s4 =	sadd.s32 s5, s19  }
0x9d: {  	s8 =	simm.s32 $0x0;
	s20 =	sshll.u32 s6, $0x1;
	s6 =	sadd.s32 s21, s4  }
0x9e: {  	[timem:s8], [sflag:s22] =	dma.local [hbm:s6], s20  }
0x9f: {  	_ =	swait.ge [sflag:s22], s20  }
0xa0: {  	s5 =	ssub.s32 $0x0, s20;
	[sflag:s22] =	ssyncset.done $0x0  }
0xa1: {  	[sflag:s22] =	ssyncadd.s32 s5;
	_ =	sdelay $0x1  }
0xa2: {  	s23 =	simm.s32 $0x1B8B  }
0xa3: {  	_ =	swait.ge [sflag:s23], $0x1  }
0xa4: {  	[sflag:s23] =	ssyncset.done $0x0  }
0xa5: {  	s25 =	simm.s32 $0x1B8E;
	s24 =	sld [smem:$0x3FFE];
	[sflag:s23] =	ssyncadd.s32 $0xFFFFFFFF  }
0xa6: {  	s26 =	simm.s32 $execute0_lowered;
	[smem:$0x3FD2] =	sst s25  }
0xa7: {  	s6 =	sshll.u32 s26, $0x1;
	_ =	strace $0x80000046;
	[dreg:$0x1] =	wrdreg $0xFFFFFFFF  }
0xa8: {  	s28 =	simm.s32 $_size_execute0_lowered;
	s4 =	sadd.s32 s4, s6;
	[dreg:$0x0] =	wrdreg $0x0  }
0xa9: {  	s6 =	sshll.u32 s28, $0x1;
	[dreg:$0x2] =	wrdreg s4  }
0xaa: {  	[dreg:$0x3] =	wrdreg s6  }
0xab: {  	[dreg:$0x4] =	wrdreg $0xC0  }
0xac: {  	_ =	task [dreg:s8], $0x5FFFF  }
0xad: {  	[dreg:$0x1] =	wrdreg $0xFFFFFFFF  }
0xae: {  	[dreg:$0x0] =	wrdreg $0x60  }
0xaf: {  	[dreg:$0x2] =	wrdreg s24  }
0xb0: {  	[dreg:$0x3] =	wrdreg s2  }
0xb1: {  	[dreg:$0x4] =	wrdreg s18  }
0xb2: {  	[dreg:$0x5] =	wrdreg $0x0  }
0xb3: {  	[dreg:$0x6] =	wrdreg $0x13C000  }
0xb4: {  	[dreg:$0x7] =	wrdreg $0x9  }
0xb5: {  	_ =	task.clear_ibuf [dreg:s8], $0x8FFFF;
	_ =	strace $0x90000046  }
0xb6: {  	s29 =	simm.s32 $0x9;
	_ =	strace $0x80000048  }
0xb7: {  	_ =	swait.ge [sflag:s29], $0x1  }
0xb8: {  	[sflag:s29] =	ssyncadd.s32 $0xFFFFFFFF  }
0xb9: {  	_ =	strace $0x90000048  }
0xba: {  	_ =	sfence  }
0xbb: {  	s30 =	sld [smem:$0x0];
	_ =	sdelay $0x2  }
0xbc: {  	s31 =	sshll.u32 s1, $0xD;
	s1 =	sshrl.u32 s1, $0x2  }
0xbd: {  	s3 =	sand.u32 $0x4000, s31;
	s1 =	sadd.s32 s1, s30  }
0xbe: {  	s0 =	sor.u32 s3, s0;
	s1 =	sshll.u32 s1, $0x11  }
0xbf: {  	s0 =	sor.u32 s1, s0  }
0xc0: {  	s0 =	sadd.s32 $0x8F2B, s0  }
0xc1: {  	[sflag:s0] =	ssyncadd.remote.s32 $0x1  }
0xc2: {  	_ =	sfence.sel $0xFFFF  }
0xc3: {  	[dreg:$0x0] =	wrdreg $0xFFFFFFFF;
	(pc) =	sbr.abs _section_cstart, $3  }
0xc4: {  	[dreg:$0x1] =	wrdreg $0xFFFFFFFF  }
0xc5: {  	_ =	task.clear_ibuf [dreg:s8], $0x2FFFF;
	_ =	strace $0x9FFFFFFF  }
0xc6: {  	(tm) =	ssettm $0x7FFFFFFF  }
0xc7: {  	_ =	shalt  }
tec
execute0_lowered:
.L_overlay_start_1:
0x0: {  	(tag) =	ssettag $0x1  }
0x1: {  	s0 =	rddreg [dreg:$0x0]  }
0x2: {  	s1 =	rddreg [dreg:$0x1]  }
0x3: {  	s3 =	rddreg [dreg:$0x3]  }
0x4: {  	s4 =	rddreg [dreg:$0x4];
	s13 =	stileid.u32  }
0x5: {  	s2 =	srdreg.scid;
	s7 =	smul.u32 $0x13C00, s13  }
0x6: {  	s5 =	simm.s32 $0x0;
	s31 =	simm.s32 $0x7;
	s19 =	smul.u32 $0x4F000, s13  }
0x7: {  	s2 =	sand.u32 $0x1, s2;
	[smem:$0x7FF] =	sst s5;
	s12 =	smul.u32 $0x2710, s13  }
0x8: {  	s8 =	sadd.s32 $0x14A00, s0;
	p0 =	sne.s32 s13, $0x0;
	s6 =	smul.u32 $0x13C000, s2  }
0x9: {  	_ =	strace $0x80000047;
	[dreg:$0x6] =	wrdreg s8;
	s18 =	sshll.u32 s2, $0x4  }
0xa: {  	s8 =	sadd.s32 $0xAC00, s0;
	s20 =	ssub.s32 $0x2, s2;
	s2 =	smul.u32 $0x27100, s2  }
0xb: {  	s9 =	sor.u32 s13, s18;
	s11 =	sshrl.u32 s20, $0x1;
	s13 =	simm.s32 $0x142F8  }
0xc: {  	s6 =	sadd.s32 s7, s6;
	s10 =	smul.u32 $0x2710, s9;
	s9 =	sadd.s32 $0xE00, s0  }
0xd: {  	s7 =	sshrl.u32 s19, $0x2;
	s2 =	sadd.s32 s12, s2;
	s12 =	simm.s32 $0x14278  }
0xe: {  	s6 =	sshrl.u32 s6, $0x3;
	s7 =	sadd.s32 s7, s3;
	s17 =	sadd.s32 $0x280, s2  }
0xf: {  	s28 =	smov.u32 s9;
	s0 =	sadd.s32 s6, s0;
	s10 =	sshrl.u32 s10, $0x3  }
0x10: {  	s6 =	ssub.s32 s20, s11;
	[dreg:$0x7] =	wrdreg s7;
	s21 =	sadd.s32 s8, s10  }
0x11: {  	s19 =	sshrl.u32 s17, $0x3;
	s22 =	sadd.s32 s9, s10;
	[dreg:$0x8] =	wrdreg s21  }
0x12: {  	s17 =	simm.s32 $0x182F8;
	s0 =	sadd.s32 $0x15000, s0;
	[dreg:$0x9] =	wrdreg s22  }
0x13: {  	s23 =	sadd.s32 $0x10, s10;
	s20 =	smax.u32 s6, $0x1;
	[dreg:$0x12] =	wrdreg s0  }
0x14: {  	s25 =	sadd.s32 $0x4C0, s10;
	s24 =	sadd.s32 s8, s23;
	[dreg:$0x13] =	wrdreg s20  }
0x15: {  	s14 =	sadd.s32 $0x4D0, s10;
	s7 =	sadd.s32 s9, s23;
	[dreg:$0xa] =	wrdreg s24  }
0x16: {  	s16 =	sadd.s32 $0x4E0, s10;
	s26 =	sadd.s32 s8, s25;
	[dreg:$0xb] =	wrdreg s7  }
0x17: {  	s6 =	simm.s32 $0x13EF8;
	s11 =	sadd.s32 s9, s25;
	[dreg:$0xc] =	wrdreg s26  }
0x18: {  	s10 =	simm.s32 $0x1;
	s15 =	sadd.s32 s8, s14;
	[dreg:$0xd] =	wrdreg s11  }
0x19: {  	s18 =	sadd.s32 s8, s16;
	s21 =	sadd.s32 s19, s9;
	[dreg:$0xe] =	wrdreg s15  }
0x1a: {  	s22 =	sadd.s32 s19, s8;
	s23 =	sadd.s32 $0x180, s2;
	[dreg:$0x10] =	wrdreg s18  }
0x1b: {  	s19 =	simm.s32 $0x141F8;
	s20 =	simm.s32 $0x3;
	[dreg:$0x14] =	wrdreg s21  }
0x1c: {  	s7 =	sadd.s32 s9, s14;
	[dreg:$0x15] =	wrdreg s22;
	s24 =	sadd.s32 $0x100, s2  }
0x1d: {  	s2 =	sadd.s32 $0x200, s2;
	s0 =	sshrl.u32 s23, $0x3;
	s23 =	simm.s32 $0x14078  }
0x1e: {  	s11 =	simm.s32 $0x80;
	s14 =	simm.s32 $0x13F78;
	s15 =	simm.s32 $0x14178  }
0x1f: {  	s18 =	simm.s32 $0x13FF8;
	s21 =	simm.s32 $0x5;
	[dreg:$0xf] =	wrdreg s7  }
0x20: {  	s22 =	simm.s32 $0x4;
	s7 =	sadd.s32 s9, s16;
	[dreg:$0x16] =	wrdreg s2  }
.Ltmp0:
0x21: {  	s26 =	sadd.s32 s0, s9;
	[dreg:$0x11] =	wrdreg s7;
	(pc) =	sbr.rel .LBB2_1-.Ltmp0, $4  }
0x22: {  	s25 =	sshrl.u32 s24, $0x3;
	s0 =	sadd.s32 s0, s8;
	[dreg:$0x17] =	wrdreg s26  }
0x23: {  	s16 =	simm.s32 $0x2;
	s2 =	simm.s32 $0x0;
	[dreg:$0x18] =	wrdreg s0  }
0x24: {  	s29 =	sadd.s32 s25, s9;
	s26 =	smov.u32 s8;
	s30 =	sadd.s32 s25, s8  }
0x25: {  	s9 =	simm.s32 $0x13E78;
	s7 =	simm.s32 $0x140F8;
	s25 =	simm.s32 $0x6  }
.LBB2_4:
0x26: {  	_ =	swait.ge [sflag:s21], $0x4000  }
0x27: {  	[sflag:s21] =	ssyncset.done $0x0  }
0x28: {  	[sflag:s21] =	ssyncadd.s32 $0xFFFFC000  }
0x29: {  	_ =	swait.ge [sflag:s25], $0x4000  }
0x2a: {  	[sflag:s25] =	ssyncset.done $0x0  }
0x2b: {  	s9 =	simm.s32 $0x13E78;
	s0 =	rddreg [dreg:$0xc];
	[sflag:s25] =	ssyncadd.s32 $0xFFFFC000  }
0x2c: {  	[tilespmem:s9], [sflag:$0x7] =	stream.linear.gather [hbm4b:s0+s5], $0x80, $0x38;
	[tilespmem:$0x1CC78] =	vst v63  }
0x2d: {  	_ =	swait.ge [sflag:s31], $0x80  }
0x2e: {  	[sflag:s31] =	ssyncset.done $0x0  }
0x2f: {  	s23 =	simm.s32 $0x14078;
	s8 =	rddreg [dreg:$0xd];
	[sflag:s31] =	ssyncadd.s32 $0xFFFFFF80  }
0x30: {  	[tilespmem:s23], [sflag:$0x7] =	stream.linear.gather [hbm4b:s8+s5], $0x80, $0x38;
	[tilespmem:$0x1CC78] =	vst v63  }
0x31: {  	_ =	swait.ge [sflag:s31], $0x80  }
0x32: {  	[sflag:s31] =	ssyncset.done $0x0  }
0x33: {  	[sflag:s31] =	ssyncadd.s32 $0xFFFFFF80  }
0x34: {  	[tilespmem:s12], [sflag:$0x7] =	stream.indirect.gather [spmem:s4], $0x1, s9, s11, $0xb8;
	[tilespmem:$0x1CC78] =	vst v63  }
0x35: {  	_ =	swait.ge [sflag:s31], $0x80  }
0x36: {  	[sflag:s31] =	ssyncset.done $0x0  }
0x37: {  	[sflag:s31] =	ssyncadd.s32 $0xFFFFFF80  }
0x38: {  	[tilespmem:s13], [sflag:$0x7] =	stream.indirect.gather [hbm4b:s1+s11], $0x80, s12, s11, $0xb8;
	[tilespmem:$0x1CC78] =	vst v63  }
0x39: {  	_ =	swait.ge [sflag:s31], $0x4000  }
0x3a: {  	[sflag:s31] =	ssyncset.done $0x0  }
0x3b: {  	[sflag:s31] =	ssyncadd.s32 $0xFFFFC000  }
0x3c: {  	[spmem:s3] =	stream.indirect.scatter.add.f32 [tilespmem:s13], [sflag:$0x7], $0x80, s23, s11, $0xb8;
	[tilespmem:$0x1CC78] =	vst v63  }
0x3d: {  	_ =	swait.ge [sflag:s31], $0x4000  }
0x3e: {  	[sflag:s31] =	ssyncset.done $0x0  }
0x3f: {  	s24 =	rddreg [dreg:$0xe];
	[sflag:s31] =	ssyncadd.s32 $0xFFFFC000  }
0x40: {  	[tilespmem:s9], [sflag:$0x7] =	stream.linear.gather [hbm4b:s24+s5], $0x80, $0x38;
	[tilespmem:$0x1CC78] =	vst v63  }
0x41: {  	_ =	swait.ge [sflag:s31], $0x80  }
0x42: {  	[sflag:s31] =	ssyncset.done $0x0  }
0x43: {  	s2 =	rddreg [dreg:$0xf];
	[sflag:s31] =	ssyncadd.s32 $0xFFFFFF80  }
0x44: {  	[tilespmem:s23], [sflag:$0x7] =	stream.linear.gather [hbm4b:s2+s5], $0x80, $0x38;
	[tilespmem:$0x1CC78] =	vst v63  }
0x45: {  	_ =	swait.ge [sflag:s31], $0x80  }
0x46: {  	[sflag:s31] =	ssyncset.done $0x0  }
0x47: {  	[sflag:s31] =	ssyncadd.s32 $0xFFFFFF80  }
0x48: {  	[tilespmem:s12], [sflag:$0x7] =	stream.indirect.gather [spmem:s4], $0x1, s9, s11, $0xb8;
	[tilespmem:$0x1CC78] =	vst v63  }
0x49: {  	_ =	swait.ge [sflag:s31], $0x80  }
0x4a: {  	[sflag:s31] =	ssyncset.done $0x0  }
0x4b: {  	[sflag:s31] =	ssyncadd.s32 $0xFFFFFF80  }
0x4c: {  	[tilespmem:s13], [sflag:$0x7] =	stream.indirect.gather [hbm4b:s1+s11], $0x80, s12, s11, $0xb8;
	[tilespmem:$0x1CC78] =	vst v63  }
0x4d: {  	_ =	swait.ge [sflag:s31], $0x4000  }
0x4e: {  	[sflag:s31] =	ssyncset.done $0x0  }
0x4f: {  	[sflag:s31] =	ssyncadd.s32 $0xFFFFC000  }
0x50: {  	[spmem:s3] =	stream.indirect.scatter.add.f32 [tilespmem:s13], [sflag:$0x7], $0x80, s23, s11, $0xb8;
	[tilespmem:$0x1CC78] =	vst v63  }
0x51: {  	_ =	swait.ge [sflag:s31], $0x4000  }
0x52: {  	[sflag:s31] =	ssyncset.done $0x0  }
0x53: {  	s2 =	simm.s32 $0x1C2F8;
	s8 =	rddreg [dreg:$0x10];
	[sflag:s31] =	ssyncadd.s32 $0xFFFFC000  }
0x54: {  	[tilespmem:s2], [sflag:$0x7] =	stream.linear.gather [hbm4b:s8+s5], $0x10, $0x38;
	[tilespmem:$0x1CC78] =	vst v63  }
0x55: {  	_ =	swait.ge [sflag:s31], $0x10  }
0x56: {  	[sflag:s31] =	ssyncset.done $0x0  }
0x57: {  	s8 =	simm.s32 $0x1C378;
	s24 =	rddreg [dreg:$0x11];
	[sflag:s31] =	ssyncadd.s32 $0xFFFFFFF0  }
0x58: {  	[tilespmem:s8], [sflag:$0x7] =	stream.linear.gather [hbm4b:s24+s5], $0x10, $0x38;
	[tilespmem:$0x1CC78] =	vst v63  }
0x59: {  	_ =	swait.ge [sflag:s31], $0x10  }
0x5a: {  	[sflag:s31] =	ssyncset.done $0x0  }
0x5b: {  	s0 =	simm.s32 $0x10;
	s24 =	simm.s32 $0x1C3F8;
	[sflag:s31] =	ssyncadd.s32 $0xFFFFFFF0  }
0x5c: {  	[tilespmem:s24], [sflag:$0x7] =	stream.indirect.gather [spmem:s4], $0x1, s2, s0, $0xb8;
	[tilespmem:$0x1CC78] =	vst v63  }
0x5d: {  	_ =	swait.ge [sflag:s31], $0x10  }
0x5e: {  	[sflag:s31] =	ssyncset.done $0x0  }
0x5f: {  	s2 =	simm.s32 $0x1C478;
	[sflag:s31] =	ssyncadd.s32 $0xFFFFFFF0  }
0x60: {  	[tilespmem:s2], [sflag:$0x7] =	stream.indirect.gather [hbm4b:s1+s0], $0x80, s24, s0, $0xb8;
	[tilespmem:$0x1CC78] =	vst v63  }
0x61: {  	_ =	swait.ge [sflag:s31], $0x800  }
0x62: {  	[sflag:s31] =	ssyncset.done $0x0  }
0x63: {  	[sflag:s31] =	ssyncadd.s32 $0xFFFFF800  }
0x64: {  	[spmem:s3] =	stream.indirect.scatter.add.f32 [tilespmem:s2], [sflag:$0x7], $0x80, s8, s0, $0xb8;
	[tilespmem:$0x1CC78] =	vst v63  }
0x65: {  	_ =	swait.ge [sflag:s31], $0x800  }
0x66: {  	[sflag:s31] =	ssyncset.done $0x0  }
0x67: {  	[sflag:s31] =	ssyncadd.s32 $0xFFFFF800  }
0x68: {  	[bflag:$0x0] =	sbarrier.arrive $0xFFFF  }
0x69: {  	s2 =	rddreg [dreg:$0x12]  }
0x6a: {  	s8 =	rddreg [dreg:$0x1a]  }
0x6b: {  	s24 =	rddreg [dreg:$0x1b]  }
0x6c: {  	[hbm:s2], [sflag:s8] =	dma.local [spmem:s24], $0x2780  }
0x6d: {  	_ =	swait.ge [sflag:s31], $0x2780  }
0x6e: {  	s8 =	rddreg [dreg:$0x19]  }
0x6f: {  	s24 =	rddreg [dreg:$0x13];
	s2 =	sadd.s32 $0x1, s8  }
0x70: {  	p1 =	sne.s32 s2, s24  }
.Ltmp1:
0x71: {  	_ = 	snop;
	(pc) =	sbr.rel @!p1 .LBB2_5-.Ltmp1, $3  }
0x72: {  	_ =	sdelay $0x1  }
0x73: {  	[sflag:s31] =	ssyncset.done $0x0  }
0x74: {  	[sflag:s31] =	ssyncadd.s32 $0xFFFFD880  }
.LBB2_1:
0x75: {  	[dreg:$0x19] =	wrdreg s2  }
0x76: {  	s0 =	sshrl.u32 @!p0 s4, $0x3;
	s2 =	simm.s32 @!p0 $0x1C07;
	s8 =	rddreg [dreg:$0x6]  }
0x77: {  	[spmem:s0], [sflag:s2] =	dma.local @!p0 [hbm:s8], $0x4F0  }
0x78: {  	s0 =	simm.s32 @!p0 $0x7;
	s8 =	stileid.u32  }
0x79: {  	_ =	swait.ge @!p0 [sflag:s0], $0x4F0;
	s2 =	sshll.u32 s8, $0x6  }
0x7a: {  	[sflag:s0] =	ssyncset.done @!p0 $0x0;
	s2 =	sor.u32 $0x1C07, s2;
	s24 =	rddreg [dreg:$0x7]  }
0x7b: {  	[sflag:s0] =	ssyncadd.s32 @!p0 $0xFFFFFB10;
	[dreg:$0x1a] =	wrdreg s2  }
0x7c: {  	s0 =	sshrl.u32 s24, $0x3;
	s24 =	rddreg [dreg:$0x2]  }
0x7d: {  	[dreg:$0x1b] =	wrdreg s0  }
0x7e: {  	[spmem:s0], [sflag:s2] =	dma.local [hbm:s24], $0x2780  }
0x7f: {  	_ =	swait.ge [sflag:s31], $0x2780  }
0x80: {  	[sflag:s31] =	ssyncset.done $0x0  }
0x81: {  	[sflag:s31] =	ssyncadd.s32 $0xFFFFD880  }
0x82: {  	[bflag:$0x0] =	sbarrier.arrive $0xFFFF  }
0x83: {  	s24 =	rddreg [dreg:$0x8]  }
0x84: {  	s2 =	rddreg [dreg:$0x9]  }
0x85: {  	[tilespmem:s9], [sflag:$0x1] =	stream.linear.gather [hbm4b:s24+s5], $0x80, $0x38;
	[tilespmem:$0x1CC78] =	vst v63  }
0x86: {  	s8 =	rddreg [dreg:$0xa]  }
0x87: {  	[tilespmem:s23], [sflag:$0x1] =	stream.linear.gather [hbm4b:s2+s5], $0x80, $0x38;
	[tilespmem:$0x1CC78] =	vst v63  }
0x88: {  	s0 =	rddreg [dreg:$0x16]  }
0x89: {  	[tilespmem:s6], [sflag:$0x2] =	stream.linear.gather [hbm4b:s8+s5], $0x80, $0x38;
	[tilespmem:$0x1CC78] =	vst v63  }
0x8a: {  	s24 =	rddreg [dreg:$0xb];
	s2 =	simm.s32 $0x0  }
0x8b: {  	[tilespmem:s7], [sflag:$0x2] =	stream.linear.gather [hbm4b:s24+s5], $0x80, $0x38;
	[tilespmem:$0x1CC78] =	vst v63  }
.LBB2_2:
0x8c: {  	_ =	swait.ge [sflag:s10], $0x80  }
0x8d: {  	[sflag:s10] =	ssyncset.done $0x0  }
0x8e: {  	[sflag:s10] =	ssyncadd.s32 $0xFFFFFF80  }
0x8f: {  	_ =	swait.ge [sflag:s10], $0x80  }
0x90: {  	p1 =	seq.s32 s2, $0x0;
	[sflag:s10] =	ssyncset.done $0x0  }
0x91: {  	s8 =	simm.s32 @!p1 $0x5;
	[sflag:s10] =	ssyncadd.s32 $0xFFFFFF80  }
0x92: {  	_ =	swait.ge @!p1 [sflag:s8], $0x4000  }
0x93: {  	[sflag:s8] =	ssyncset.done @!p1 $0x0  }
0x94: {  	[sflag:s8] =	ssyncadd.s32 @!p1 $0xFFFFC000  }
0x95: {  	[tilespmem:s12], [sflag:$0x7] =	stream.indirect.gather [spmem:s4], $0x1, s9, s11, $0xb8;
	[tilespmem:$0x1CC78] =	vst v63  }
0x96: {  	_ =	swait.ge [sflag:s31], $0x80  }
0x97: {  	[sflag:s31] =	ssyncset.done $0x0  }
0x98: {  	[sflag:s31] =	ssyncadd.s32 $0xFFFFFF80  }
0x99: {  	[tilespmem:s13], [sflag:$0x7] =	stream.indirect.gather [hbm4b:s1+s11], $0x80, s12, s11, $0xb8;
	[tilespmem:$0x1CC78] =	vst v63  }
0x9a: {  	_ =	swait.ge [sflag:s31], $0x4000  }
0x9b: {  	[sflag:s31] =	ssyncset.done $0x0  }
0x9c: {  	[sflag:s31] =	ssyncadd.s32 $0xFFFFC000  }
0x9d: {  	[spmem:s3] =	stream.indirect.scatter.add.f32 [tilespmem:s13], [sflag:$0x5], $0x80, s23, s11, $0xb8;
	[tilespmem:$0x1CC78] =	vst v63  }
0x9e: {  	s24 =	sadd.s32 s2, s30  }
0x9f: {  	[tilespmem:s14], [sflag:$0x3] =	stream.linear.gather [hbm4b:s24+s5], $0x80, $0x38;
	[tilespmem:$0x1CC78] =	vst v63  }
0xa0: {  	s9 =	sadd.s32 s2, s29  }
0xa1: {  	[tilespmem:s15], [sflag:$0x3] =	stream.linear.gather [hbm4b:s9+s5], $0x80, $0x38;
	[tilespmem:$0x1CC78] =	vst v63  }
0xa2: {  	_ =	swait.ge [sflag:s16], $0x80  }
0xa3: {  	[sflag:s16] =	ssyncset.done $0x0  }
0xa4: {  	[sflag:s16] =	ssyncadd.s32 $0xFFFFFF80  }
0xa5: {  	_ =	swait.ge [sflag:s16], $0x80  }
0xa6: {  	[sflag:s16] =	ssyncset.done $0x0  }
0xa7: {  	s8 =	simm.s32 @!p1 $0x6;
	[sflag:s16] =	ssyncadd.s32 $0xFFFFFF80  }
0xa8: {  	_ =	swait.ge @!p1 [sflag:s8], $0x4000  }
0xa9: {  	[sflag:s8] =	ssyncset.done @!p1 $0x0  }
0xaa: {  	[sflag:s8] =	ssyncadd.s32 @!p1 $0xFFFFC000  }
0xab: {  	[tilespmem:s12], [sflag:$0x7] =	stream.indirect.gather [spmem:s4], $0x1, s6, s11, $0xb8;
	[tilespmem:$0x1CC78] =	vst v63  }
0xac: {  	_ =	swait.ge [sflag:s31], $0x80  }
0xad: {  	[sflag:s31] =	ssyncset.done $0x0  }
0xae: {  	[sflag:s31] =	ssyncadd.s32 $0xFFFFFF80  }
0xaf: {  	[tilespmem:s17], [sflag:$0x7] =	stream.indirect.gather [hbm4b:s1+s11], $0x80, s12, s11, $0xb8;
	[tilespmem:$0x1CC78] =	vst v63  }
0xb0: {  	_ =	swait.ge [sflag:s31], $0x4000  }
0xb1: {  	[sflag:s31] =	ssyncset.done $0x0  }
0xb2: {  	s23 =	rddreg [dreg:$0x18];
	[sflag:s31] =	ssyncadd.s32 $0xFFFFC000  }
0xb3: {  	[spmem:s3] =	stream.indirect.scatter.add.f32 [tilespmem:s17], [sflag:$0x6], $0x80, s7, s11, $0xb8;
	[tilespmem:$0x1CC78] =	vst v63  }
0xb4: {  	s24 =	rddreg [dreg:$0x17];
	s8 =	sadd.s32 s2, s23  }
0xb5: {  	[tilespmem:s18], [sflag:$0x4] =	stream.linear.gather [hbm4b:s8+s5], $0x80, $0x38;
	[tilespmem:$0x1CC78] =	vst v63  }
0xb6: {  	s8 =	sadd.s32 s2, s24  }
0xb7: {  	[tilespmem:s19], [sflag:$0x4] =	stream.linear.gather [hbm4b:s8+s5], $0x80, $0x38;
	[tilespmem:$0x1CC78] =	vst v63  }
0xb8: {  	_ =	swait.ge [sflag:s20], $0x80  }
0xb9: {  	[sflag:s20] =	ssyncset.done $0x0  }
0xba: {  	[sflag:s20] =	ssyncadd.s32 $0xFFFFFF80  }
0xbb: {  	_ =	swait.ge [sflag:s20], $0x80  }
0xbc: {  	[sflag:s20] =	ssyncset.done $0x0  }
0xbd: {  	[sflag:s20] =	ssyncadd.s32 $0xFFFFFF80  }
0xbe: {  	_ =	swait.ge [sflag:s21], $0x4000  }
0xbf: {  	[sflag:s21] =	ssyncset.done $0x0  }
0xc0: {  	[sflag:s21] =	ssyncadd.s32 $0xFFFFC000  }
0xc1: {  	[tilespmem:s12], [sflag:$0x7] =	stream.indirect.gather [spmem:s4], $0x1, s14, s11, $0xb8;
	[tilespmem:$0x1CC78] =	vst v63  }
0xc2: {  	_ =	swait.ge [sflag:s31], $0x80  }
0xc3: {  	[sflag:s31] =	ssyncset.done $0x0  }
0xc4: {  	[sflag:s31] =	ssyncadd.s32 $0xFFFFFF80  }
0xc5: {  	[tilespmem:s13], [sflag:$0x7] =	stream.indirect.gather [hbm4b:s1+s11], $0x80, s12, s11, $0xb8;
	[tilespmem:$0x1CC78] =	vst v63  }
0xc6: {  	_ =	swait.ge [sflag:s31], $0x4000  }
0xc7: {  	p1 =	seq.s32 s2, $0x480;
	[sflag:s31] =	ssyncset.done $0x0  }
0xc8: {  	s8 =	sshrl.u32 @!p1 s0, $0x3;
	[sflag:s31] =	ssyncadd.s32 $0xFFFFC000  }
0xc9: {  	[spmem:s3] =	stream.indirect.scatter.add.f32 [tilespmem:s13], [sflag:$0x5], $0x80, s15, s11, $0xb8;
	[tilespmem:$0x1CC78] =	vst v63  }
0xca: {  	s23 =	simm.s32 @!p1 $0x0;
	s24 =	simm.s32 @!p1 $0x13E78;
	s9 =	sadd.s32 @!p1 s26, s8  }
0xcb: {  	[tilespmem:s24], [sflag:$0x1] =	stream.linear.gather @!p1 [hbm4b:s9+s23], $0x80, $0x38;
	[tilespmem:$0x1CC78] =	vst v63  }
0xcc: {  	s8 =	sadd.s32 @!p1 s28, s8;
	s9 =	simm.s32 @!p1 $0x14078  }
0xcd: {  	[tilespmem:s9], [sflag:$0x1] =	stream.linear.gather @!p1 [hbm4b:s8+s23], $0x80, $0x38;
	[tilespmem:$0x1CC78] =	vst v63  }
0xce: {  	_ =	swait.ge [sflag:s22], $0x80  }
0xcf: {  	[sflag:s22] =	ssyncset.done $0x0  }
0xd0: {  	[sflag:s22] =	ssyncadd.s32 $0xFFFFFF80  }
0xd1: {  	_ =	swait.ge [sflag:s22], $0x80  }
0xd2: {  	[sflag:s22] =	ssyncset.done $0x0  }
0xd3: {  	[sflag:s22] =	ssyncadd.s32 $0xFFFFFF80  }
0xd4: {  	_ =	swait.ge [sflag:s25], $0x4000  }
0xd5: {  	[sflag:s25] =	ssyncset.done $0x0  }
0xd6: {  	[sflag:s25] =	ssyncadd.s32 $0xFFFFC000  }
0xd7: {  	[tilespmem:s12], [sflag:$0x7] =	stream.indirect.gather [spmem:s4], $0x1, s18, s11, $0xb8;
	[tilespmem:$0x1CC78] =	vst v63  }
0xd8: {  	_ =	swait.ge [sflag:s31], $0x80  }
0xd9: {  	[sflag:s31] =	ssyncset.done $0x0  }
0xda: {  	[sflag:s31] =	ssyncadd.s32 $0xFFFFFF80  }
0xdb: {  	[tilespmem:s17], [sflag:$0x7] =	stream.indirect.gather [hbm4b:s1+s11], $0x80, s12, s11, $0xb8;
	[tilespmem:$0x1CC78] =	vst v63  }
.Ltmp2:
0xdc: {  	_ = 	snop;
	(pc) =	sbr.rel @p1 .LBB2_4-.Ltmp2, $4  }
0xdd: {  	_ =	swait.ge [sflag:s31], $0x4000  }
0xde: {  	[sflag:s31] =	ssyncset.done $0x0  }
0xdf: {  	[sflag:s31] =	ssyncadd.s32 $0xFFFFC000  }
0xe0: {  	[spmem:s3] =	stream.indirect.scatter.add.f32 [tilespmem:s17], [sflag:$0x6], $0x80, s19, s11, $0xb8;
	[tilespmem:$0x1CC78] =	vst v63  }
0xe1: {  	s8 =	rddreg [dreg:$0x15]  }
.Ltmp3:
0xe2: {  	s24 =	rddreg [dreg:$0x14];
	(pc) =	sbr.rel .LBB2_2-.Ltmp3, $4  }
0xe3: {  	s0 =	sadd.s32 $0x200, s0;
	s9 =	simm.s32 $0x13E78;
	s8 =	sadd.s32 s2, s8  }
0xe4: {  	[tilespmem:s6], [sflag:$0x2] =	stream.linear.gather [hbm4b:s8+s5], $0x80, $0x38;
	[tilespmem:$0x1CC78] =	vst v63  }
0xe5: {  	s23 =	simm.s32 $0x14078;
	s8 =	sadd.s32 s2, s24;
	s2 =	sadd.s32 $0x40, s2  }
0xe6: {  	[tilespmem:s7], [sflag:$0x2] =	stream.linear.gather [hbm4b:s8+s5], $0x80, $0x38;
	[tilespmem:$0x1CC78] =	vst v63  }
.LBB2_5:
0xe7: {  	_ =	sfence.sel $0x180000  }
0xe8: {  	[bflag:$0x0] =	sbarrier.arrive $0xFFFF  }
0xe9: {  	_ =	strace $0x90000047  }
0xea: {  	[bflag:$0x2] =	sbarrier.arrive $0xFFFF  }
0xeb: {  	s0 =	rddreg [dreg:$0x5]  }
0xec: {  	s0 =	sadd.s32 @!p0 $0x100000, s0  }
0xed: {  	[sflag:s0] =	ssyncadd.tile.s32 @!p0 $0x1;
	_ =	shalt  }
.Lfunc_end2:
_tile_overlayer_lowered:
.L_overlay_start_2:
0xee: {  	(tag) =	ssettag $0x2  }
0xef: {  	s0 =	rddreg [dreg:$0x0];
	s2 =	stileid.u32  }
0xf0: {  	s1 =	rddreg [dreg:$0x1];
	p0 =	sne.s32 s2, $0x0  }
0xf1: {  	s3 =	rddreg [dreg:$0x2];
	[bflag:$0x3] =	sbarrier.arrive $0xFFFF;
	s2 =	simm.s32 @!p0 $0x1C07  }
0xf2: {  	[timem:s3], [sflag:s2] =	dma.local @!p0 [hbm:s0], s1  }
0xf3: {  	s0 =	simm.s32 @!p0 $0x7  }
0xf4: {  	_ =	swait.ge @!p0 [sflag:s0], s1  }
0xf5: {  	s1 =	ssub.s32 @!p0 $0x0, s1;
	[sflag:s0] =	ssyncset.done @!p0 $0x0  }
0xf6: {  	[sflag:s0] =	ssyncadd.s32 @!p0 s1  }
0xf7: {  	[bflag:$0x3] =	sbarrier.arrive $0xFFFF  }
0xf8: {  	_ =	shalt  }

</sc_bundles>
